<compile_context>
chip_gen: v7x
topology: tpu7x:2x2x1
jax: 0.10.2.dev20260603
libtpu: 0.0.44.dev20260713+nightly
codegen_flags: <defaults>
</compile_context>

<pallas_src>
import functools

import jax
import jax.numpy as jnp
from jax import lax
from jax.experimental import pallas as pl
from jax.experimental.pallas import tpu as pltpu
from jax.experimental.pallas import tpu_sc as plsc

N = 10000
E = 320000
D = 128
NC = 2
NS = 16
NW = NC * NS
CP = D // NW
BLK = 4096
NBLK = -(-E // BLK)
EPAD = NBLK * BLK
EPT = EPAD // NW
ROWS = 10016
SHIFT = 14
MASK = (1 << SHIFT) - 1

_mesh = plsc.VectorSubcoreMesh(core_axis_name="c", subcore_axis_name="s")
_sc_params = pltpu.CompilerParams(use_tc_tiling_on_sc=False,
                                  needs_layout_passes=False)


@functools.partial(
    pl.kernel,
    out_type=jax.ShapeDtypeStruct((NW, ROWS), jnp.float32),
    mesh=_mesh,
    scratch_types=[
        pltpu.VMEM((EPT,), jnp.int32),
        pltpu.VMEM((ROWS,), jnp.float32),
    ],
    compiler_params=_sc_params,
    name="sc_degree",
)
def _deg_kernel(pk_hbm, zeros_hbm, out_hbm, pkv, degv):
    c = lax.axis_index("c")
    s = lax.axis_index("s")
    wid = c * NS + s
    pltpu.sync_copy(pk_hbm.at[pl.ds(wid * EPT, EPT)], pkv)
    pltpu.sync_copy(zeros_hbm, degv)
    ones = jnp.ones((16,), jnp.float32)

    def go(g, carry):
        pk16 = pkv[pl.ds(g * 16, 16)]
        dst = jnp.bitwise_and(pk16, MASK)
        plsc.addupdate_scatter(degv, [dst], ones)
        return carry

    lax.fori_loop(0, EPT // 16, go, 0)
    pltpu.sync_copy(degv, out_hbm.at[wid])


UNROLL = 8


@functools.partial(
    pl.kernel,
    out_type=jax.ShapeDtypeStruct((D, ROWS), jnp.float32),
    mesh=_mesh,
    scratch_types=[
        [pltpu.VMEM((N,), jnp.float32) for _ in range(CP)],
        [pltpu.VMEM((ROWS,), jnp.float32) for _ in range(CP)],
        pltpu.VMEM((BLK,), jnp.int32),
    ],
    compiler_params=_sc_params,
    name="sc_edge_scatter",
)
def _scat_kernel(h2t_hbm, pk_hbm, zeros_hbm, out_hbm, hv, accv, pkv):
    c = lax.axis_index("c")
    s = lax.axis_index("s")
    wid = c * NS + s
    for r in range(CP):
        pltpu.sync_copy(h2t_hbm.at[wid * CP + r], hv[r])
        pltpu.sync_copy(zeros_hbm, accv[r])

    def outer(b, carry):
        pltpu.sync_copy(pk_hbm.at[pl.ds(b * BLK, BLK)], pkv)

        def inner(g, carry2):
            base = g * (16 * UNROLL)
            for u in range(UNROLL):
                pk16 = pkv[pl.ds(base + u * 16, 16)]
                src = lax.shift_right_logical(pk16, SHIFT)
                dst = jnp.bitwise_and(pk16, MASK)
                for r in range(CP):
                    vals = plsc.load_gather(hv[r], [src])
                    plsc.addupdate_scatter(accv[r], [dst], vals)
            return carry2

        lax.fori_loop(0, BLK // (16 * UNROLL), inner, 0)
        return carry

    lax.fori_loop(0, NBLK, outer, 0)
    for r in range(CP):
        pltpu.sync_copy(accv[r], out_hbm.at[wid * CP + r])


def _tc1_body(x_ref, w1_ref, degp_ref, h2_ref, h2t_ref, dinvr_ref,
              dinvc_ref):
    deg = jnp.sum(degp_ref[...], axis=0, keepdims=True)[:, :N] + 1.0
    dinv_row = lax.rsqrt(deg)
    dinv_col = dinv_row.T
    h = jnp.dot(x_ref[...], w1_ref[...], preferred_element_type=jnp.float32)
    h2 = h * dinv_col
    h2_ref[...] = h2
    h2t_ref[...] = h2.T
    dinvr_ref[...] = dinv_row
    dinvc_ref[...] = dinv_col


def _tc2_body(h2_ref, accp_ref, dinvc_ref, w2_ref, b1_ref,
              h2b_ref, h2bt_ref):
    dinv = dinvc_ref[...]
    acc_t = accp_ref[:, :N]
    acc = acc_t.T + h2_ref[...]
    y1 = jnp.maximum(acc * dinv + b1_ref[...], 0.0)
    h = jnp.dot(y1, w2_ref[...], preferred_element_type=jnp.float32)
    h2b = h * dinv
    h2b_ref[...] = h2b
    h2bt_ref[...] = h2b.T


def _tc3_body(h2b_ref, accp_ref, dinvc_ref, b2_ref, lnw_ref, lnb_ref,
              out_ref):
    acc_t = accp_ref[:, :N]
    acc = acc_t.T + h2b_ref[...]
    y = jnp.maximum(acc * dinvc_ref[...] + b2_ref[...], 0.0)
    m = jnp.mean(y)
    o = y - m
    v = jnp.mean(o * o)
    out_ref[...] = (o / jnp.sqrt(v + 1e-5)) * lnw_ref[...] + lnb_ref[...]


_tc1 = pl.pallas_call(
    _tc1_body,
    out_shape=(jax.ShapeDtypeStruct((N, D), jnp.float32),
               jax.ShapeDtypeStruct((D, N), jnp.float32),
               jax.ShapeDtypeStruct((1, N), jnp.float32),
               jax.ShapeDtypeStruct((N, 1), jnp.float32)),
    name="tc_h2_dinv",
)

_tc2 = pl.pallas_call(
    _tc2_body,
    out_shape=(jax.ShapeDtypeStruct((N, D), jnp.float32),
               jax.ShapeDtypeStruct((D, N), jnp.float32)),
    name="tc_layer1",
)

_tc3 = pl.pallas_call(
    _tc3_body,
    out_shape=jax.ShapeDtypeStruct((N, D), jnp.float32),
    name="tc_layer2_ln",
)


def kernel(node_features, edges, W1, b1, W2, b2, ln_w, ln_b):
    src = edges[0]
    dst = edges[1]
    pk = src * (1 << SHIFT) + dst
    pad = EPAD - E
    pkp = jnp.concatenate([pk, jnp.full((pad,), N, jnp.int32)])
    zeros_row = jnp.zeros((ROWS,), jnp.float32)

    degp = _deg_kernel(pkp, zeros_row)
    h2, h2t, dinvr, dinvc = _tc1(node_features, W1, degp)
    del dinvr
    acc1 = _scat_kernel(h2t, pkp, zeros_row)
    h2b, h2bt = _tc2(h2, acc1, dinvc, W2, b1.reshape(1, D))
    acc2 = _scat_kernel(h2bt, pkp, zeros_row)
    out = _tc3(h2b, acc2, dinvc, b2.reshape(1, D),
               ln_w.reshape(1, 1), ln_b.reshape(1, 1))
    return out

# --- scband reference (transcript-rebuilt; emitter-appended) ---
"""Pipeline reference for scband-gcn-tme-34608846471581 (READ-ONLY COPY).

The authoritative reference and input builder live on the scoring server;
editing this copy changes nothing except your own understanding.
"""

import jax, jax.numpy as jnp
import numpy as np

N = 10000
E = 320000
D = 128
GRAPH_WEIGHT = 0.8


def setup_inputs(seed: int = 0) -> dict:
    key = jax.random.key(seed)
    ks = jax.random.split(key, 8)
    node_features = jax.random.normal(ks[0], (N, D), dtype=jnp.float32)
    edges = jax.random.randint(ks[1], (2, E), 0, N, dtype=jnp.int32)
    s = 1.0 / np.sqrt(D)
    W1 = jax.random.uniform(ks[2], (D, D), dtype=jnp.float32, minval=-s, maxval=s)
    b1 = jnp.zeros((D,), dtype=jnp.float32)
    W2 = jax.random.uniform(ks[3], (D, D), dtype=jnp.float32, minval=-s, maxval=s)
    b2 = jnp.zeros((D,), dtype=jnp.float32)
    ln_w = jnp.ones((1,), dtype=jnp.float32)
    ln_b = jnp.zeros((1,), dtype=jnp.float32)
    return {"node_features": node_features, "edges": edges, "W1": W1, "b1": b1,
            "W2": W2, "b2": b2, "ln_w": ln_w, "ln_b": ln_b}


def _gcn_conv(x, src, dst, W, b, n_nodes):
    # GCNConv with self-loops already appended to (src, dst).
    deg = jnp.zeros((n_nodes,), dtype=x.dtype).at[dst].add(1.0)
    dinv = jnp.where(deg > 0, deg ** -0.5, 0.0)
    norm = dinv[src] * dinv[dst]
    h = x @ W
    msg = h[src] * norm[:, None]
    out = jnp.zeros((n_nodes, W.shape[1]), dtype=x.dtype).at[dst].add(msg)
    return out + b


def reference(node_features, edges, W1, b1, W2, b2, ln_w, ln_b):
    n_nodes = node_features.shape[0]
    loop = jnp.arange(n_nodes, dtype=edges.dtype)
    src = jnp.concatenate([edges[0], loop])
    dst = jnp.concatenate([edges[1], loop])

    x_r = node_features
    x = jax.nn.relu(_gcn_conv(node_features, src, dst, W1, b1, n_nodes))
    # dropout p=0.2 is identity in eval mode
    x_r = jax.nn.relu(_gcn_conv(x_r, src, dst, W1, b1, n_nodes))
    x = GRAPH_WEIGHT * x + (1.0 - GRAPH_WEIGHT) * x_r
    x = jax.nn.relu(_gcn_conv(x, src, dst, W2, b2, n_nodes))

    # PyG LayerNorm(in_channels=1), default mode='graph': normalize over all
    # nodes and channels of the (single) graph, scalar affine params.
    mean = jnp.mean(x)
    out = x - mean
    var = jnp.mean(out * out)
    out = out / jnp.sqrt(var + 1e-5)
    out = out * ln_w + ln_b
    return out

if __name__ == "__main__":
    import jax
    _d = setup_inputs()
    print(jax.jit(kernel)(*tuple(_d.values())))

</pallas_src>

<mosaic_0001>
#map = affine_map<(d0, d1) -> (0, 0)>
#map1 = affine_map<(d0, d1) -> (0)>
module attributes {stable_mosaic.version = 14 : i64} {
  func.func @sc_edge_scatter(%arg0: i32, %arg1: i32, %arg2: memref<128x10000xf32, #tpu.memory_space<hbm>>, %arg3: memref<323584xi32, #tpu.memory_space<hbm>>, %arg4: memref<10016xf32, #tpu.memory_space<hbm>>, %arg5: memref<128x10016xf32, #tpu.memory_space<hbm>>, %arg6: memref<10000xf32, #tpu.memory_space<vmem>>, %arg7: memref<10000xf32, #tpu.memory_space<vmem>>, %arg8: memref<10000xf32, #tpu.memory_space<vmem>>, %arg9: memref<10000xf32, #tpu.memory_space<vmem>>, %arg10: memref<10016xf32, #tpu.memory_space<vmem>>, %arg11: memref<10016xf32, #tpu.memory_space<vmem>>, %arg12: memref<10016xf32, #tpu.memory_space<vmem>>, %arg13: memref<10016xf32, #tpu.memory_space<vmem>>, %arg14: memref<4096xi32, #tpu.memory_space<vmem>>) attributes {dimension_semantics = [#tpu.dimension_semantics<core_parallel>, #tpu.dimension_semantics<subcore_parallel>], iteration_bounds = array<i64: 2, 16>, scalar_prefetch = 0 : i64, scratch_operands = 9 : i64, tpu.core_type = #tpu.core_type<sc_vector_subcore>, window_params = [{transform_indices = #map}, {transform_indices = #map1}, {transform_indices = #map1}, {transform_indices = #map}]} {
    %mul3A = arith.constant 16 : i32
    %mul3A_0 = arith.muli %arg0, %mul3A : i32
    %add3A = arith.addi %mul3A_0, %arg1 : i32
    %mul3A_1 = arith.constant 4 : i32
    %mul3A_2 = arith.muli %add3A, %mul3A_1 : i32
    %add3A_3 = arith.constant 0 : i32
    %add3A_4 = arith.addi %mul3A_2, %add3A_3 : i32
    "tpu.region"() ({
      %run_scoped3A = tpu.sem_alloc : memref<!tpu.dma_semaphore, #tpu.memory_space<semaphore_mem>>
      %dma_start3A = arith.constant 0 : i32
      %dma_start3A_38 = tpu.memref_slice %arg2[%add3A_4, %dma_start3A] : memref<128x10000xf32, #tpu.memory_space<hbm>> -> memref<1x10000xf32, #tpu.memory_space<hbm>>
      %dma_start3A_39 = tpu.memref_squeeze %dma_start3A_38 : memref<1x10000xf32, #tpu.memory_space<hbm>> -> memref<10000xf32, #tpu.memory_space<hbm>>
      %dma_start3A_40 = arith.constant 0 : i32
      %dma_start3A_41 = tpu.memref_slice %arg2[%add3A_4, %dma_start3A_40] : memref<128x10000xf32, #tpu.memory_space<hbm>> -> memref<1x10000xf32, #tpu.memory_space<hbm>>
      %dma_start3A_42 = tpu.memref_squeeze %dma_start3A_41 : memref<1x10000xf32, #tpu.memory_space<hbm>> -> memref<10000xf32, #tpu.memory_space<hbm>>
      tpu.enqueue_dma source(%dma_start3A_42 : memref<10000xf32, #tpu.memory_space<hbm>>) target(%arg6 : memref<10000xf32, #tpu.memory_space<vmem>>) target_semaphore(%run_scoped3A : memref<!tpu.dma_semaphore, #tpu.memory_space<semaphore_mem>>)
      %dma_wait3A = arith.constant 0 : i32
      %dma_wait3A_43 = tpu.memref_slice %arg2[%add3A_4, %dma_wait3A] : memref<128x10000xf32, #tpu.memory_space<hbm>> -> memref<1x10000xf32, #tpu.memory_space<hbm>>
      %dma_wait3A_44 = tpu.memref_squeeze %dma_wait3A_43 : memref<1x10000xf32, #tpu.memory_space<hbm>> -> memref<10000xf32, #tpu.memory_space<hbm>>
      %dma_wait3A_45 = arith.constant 0 : i32
      %dma_wait3A_46 = tpu.memref_slice %arg2[%add3A_4, %dma_wait3A_45] : memref<128x10000xf32, #tpu.memory_space<hbm>> -> memref<1x10000xf32, #tpu.memory_space<hbm>>
      %dma_wait3A_47 = tpu.memref_squeeze %dma_wait3A_46 : memref<1x10000xf32, #tpu.memory_space<hbm>> -> memref<10000xf32, #tpu.memory_space<hbm>>
      tpu.wait_dma2 semaphore(%run_scoped3A : memref<!tpu.dma_semaphore, #tpu.memory_space<semaphore_mem>>) src(%dma_wait3A_47 : memref<10000xf32, #tpu.memory_space<hbm>>) dst(%arg6 : memref<10000xf32, #tpu.memory_space<vmem>>)
      tpu.yield
    }) : () -> ()
    "tpu.region"() ({
      %run_scoped3A = tpu.sem_alloc : memref<!tpu.dma_semaphore, #tpu.memory_space<semaphore_mem>>
      tpu.enqueue_dma source(%arg4 : memref<10016xf32, #tpu.memory_space<hbm>>) target(%arg10 : memref<10016xf32, #tpu.memory_space<vmem>>) target_semaphore(%run_scoped3A : memref<!tpu.dma_semaphore, #tpu.memory_space<semaphore_mem>>)
      tpu.wait_dma2 semaphore(%run_scoped3A : memref<!tpu.dma_semaphore, #tpu.memory_space<semaphore_mem>>) src(%arg4 : memref<10016xf32, #tpu.memory_space<hbm>>) dst(%arg10 : memref<10016xf32, #tpu.memory_space<vmem>>)
      tpu.yield
    }) : () -> ()
    %mul3A_5 = arith.constant 4 : i32
    %mul3A_6 = arith.muli %add3A, %mul3A_5 : i32
    %add3A_7 = arith.constant 1 : i32
    %add3A_8 = arith.addi %mul3A_6, %add3A_7 : i32
    "tpu.region"() ({
      %run_scoped3A = tpu.sem_alloc : memref<!tpu.dma_semaphore, #tpu.memory_space<semaphore_mem>>
      %dma_start3A = arith.constant 0 : i32
      %dma_start3A_38 = tpu.memref_slice %arg2[%add3A_8, %dma_start3A] : memref<128x10000xf32, #tpu.memory_space<hbm>> -> memref<1x10000xf32, #tpu.memory_space<hbm>>
      %dma_start3A_39 = tpu.memref_squeeze %dma_start3A_38 : memref<1x10000xf32, #tpu.memory_space<hbm>> -> memref<10000xf32, #tpu.memory_space<hbm>>
      %dma_start3A_40 = arith.constant 0 : i32
      %dma_start3A_41 = tpu.memref_slice %arg2[%add3A_8, %dma_start3A_40] : memref<128x10000xf32, #tpu.memory_space<hbm>> -> memref<1x10000xf32, #tpu.memory_space<hbm>>
      %dma_start3A_42 = tpu.memref_squeeze %dma_start3A_41 : memref<1x10000xf32, #tpu.memory_space<hbm>> -> memref<10000xf32, #tpu.memory_space<hbm>>
      tpu.enqueue_dma source(%dma_start3A_42 : memref<10000xf32, #tpu.memory_space<hbm>>) target(%arg7 : memref<10000xf32, #tpu.memory_space<vmem>>) target_semaphore(%run_scoped3A : memref<!tpu.dma_semaphore, #tpu.memory_space<semaphore_mem>>)
      %dma_wait3A = arith.constant 0 : i32
      %dma_wait3A_43 = tpu.memref_slice %arg2[%add3A_8, %dma_wait3A] : memref<128x10000xf32, #tpu.memory_space<hbm>> -> memref<1x10000xf32, #tpu.memory_space<hbm>>
      %dma_wait3A_44 = tpu.memref_squeeze %dma_wait3A_43 : memref<1x10000xf32, #tpu.memory_space<hbm>> -> memref<10000xf32, #tpu.memory_space<hbm>>
      %dma_wait3A_45 = arith.constant 0 : i32
      %dma_wait3A_46 = tpu.memref_slice %arg2[%add3A_8, %dma_wait3A_45] : memref<128x10000xf32, #tpu.memory_space<hbm>> -> memref<1x10000xf32, #tpu.memory_space<hbm>>
      %dma_wait3A_47 = tpu.memref_squeeze %dma_wait3A_46 : memref<1x10000xf32, #tpu.memory_space<hbm>> -> memref<10000xf32, #tpu.memory_space<hbm>>
      tpu.wait_dma2 semaphore(%run_scoped3A : memref<!tpu.dma_semaphore, #tpu.memory_space<semaphore_mem>>) src(%dma_wait3A_47 : memref<10000xf32, #tpu.memory_space<hbm>>) dst(%arg7 : memref<10000xf32, #tpu.memory_space<vmem>>)
      tpu.yield
    }) : () -> ()
    "tpu.region"() ({
      %run_scoped3A = tpu.sem_alloc : memref<!tpu.dma_semaphore, #tpu.memory_space<semaphore_mem>>
      tpu.enqueue_dma source(%arg4 : memref<10016xf32, #tpu.memory_space<hbm>>) target(%arg11 : memref<10016xf32, #tpu.memory_space<vmem>>) target_semaphore(%run_scoped3A : memref<!tpu.dma_semaphore, #tpu.memory_space<semaphore_mem>>)
      tpu.wait_dma2 semaphore(%run_scoped3A : memref<!tpu.dma_semaphore, #tpu.memory_space<semaphore_mem>>) src(%arg4 : memref<10016xf32, #tpu.memory_space<hbm>>) dst(%arg11 : memref<10016xf32, #tpu.memory_space<vmem>>)
      tpu.yield
    }) : () -> ()
    %mul3A_9 = arith.constant 4 : i32
    %mul3A_10 = arith.muli %add3A, %mul3A_9 : i32
    %add3A_11 = arith.constant 2 : i32
    %add3A_12 = arith.addi %mul3A_10, %add3A_11 : i32
    "tpu.region"() ({
      %run_scoped3A = tpu.sem_alloc : memref<!tpu.dma_semaphore, #tpu.memory_space<semaphore_mem>>
      %dma_start3A = arith.constant 0 : i32
      %dma_start3A_38 = tpu.memref_slice %arg2[%add3A_12, %dma_start3A] : memref<128x10000xf32, #tpu.memory_space<hbm>> -> memref<1x10000xf32, #tpu.memory_space<hbm>>
      %dma_start3A_39 = tpu.memref_squeeze %dma_start3A_38 : memref<1x10000xf32, #tpu.memory_space<hbm>> -> memref<10000xf32, #tpu.memory_space<hbm>>
      %dma_start3A_40 = arith.constant 0 : i32
      %dma_start3A_41 = tpu.memref_slice %arg2[%add3A_12, %dma_start3A_40] : memref<128x10000xf32, #tpu.memory_space<hbm>> -> memref<1x10000xf32, #tpu.memory_space<hbm>>
      %dma_start3A_42 = tpu.memref_squeeze %dma_start3A_41 : memref<1x10000xf32, #tpu.memory_space<hbm>> -> memref<10000xf32, #tpu.memory_space<hbm>>
      tpu.enqueue_dma source(%dma_start3A_42 : memref<10000xf32, #tpu.memory_space<hbm>>) target(%arg8 : memref<10000xf32, #tpu.memory_space<vmem>>) target_semaphore(%run_scoped3A : memref<!tpu.dma_semaphore, #tpu.memory_space<semaphore_mem>>)
      %dma_wait3A = arith.constant 0 : i32
      %dma_wait3A_43 = tpu.memref_slice %arg2[%add3A_12, %dma_wait3A] : memref<128x10000xf32, #tpu.memory_space<hbm>> -> memref<1x10000xf32, #tpu.memory_space<hbm>>
      %dma_wait3A_44 = tpu.memref_squeeze %dma_wait3A_43 : memref<1x10000xf32, #tpu.memory_space<hbm>> -> memref<10000xf32, #tpu.memory_space<hbm>>
      %dma_wait3A_45 = arith.constant 0 : i32
      %dma_wait3A_46 = tpu.memref_slice %arg2[%add3A_12, %dma_wait3A_45] : memref<128x10000xf32, #tpu.memory_space<hbm>> -> memref<1x10000xf32, #tpu.memory_space<hbm>>
      %dma_wait3A_47 = tpu.memref_squeeze %dma_wait3A_46 : memref<1x10000xf32, #tpu.memory_space<hbm>> -> memref<10000xf32, #tpu.memory_space<hbm>>
      tpu.wait_dma2 semaphore(%run_scoped3A : memref<!tpu.dma_semaphore, #tpu.memory_space<semaphore_mem>>) src(%dma_wait3A_47 : memref<10000xf32, #tpu.memory_space<hbm>>) dst(%arg8 : memref<10000xf32, #tpu.memory_space<vmem>>)
      tpu.yield
    }) : () -> ()
    "tpu.region"() ({
      %run_scoped3A = tpu.sem_alloc : memref<!tpu.dma_semaphore, #tpu.memory_space<semaphore_mem>>
      tpu.enqueue_dma source(%arg4 : memref<10016xf32, #tpu.memory_space<hbm>>) target(%arg12 : memref<10016xf32, #tpu.memory_space<vmem>>) target_semaphore(%run_scoped3A : memref<!tpu.dma_semaphore, #tpu.memory_space<semaphore_mem>>)
      tpu.wait_dma2 semaphore(%run_scoped3A : memref<!tpu.dma_semaphore, #tpu.memory_space<semaphore_mem>>) src(%arg4 : memref<10016xf32, #tpu.memory_space<hbm>>) dst(%arg12 : memref<10016xf32, #tpu.memory_space<vmem>>)
      tpu.yield
    }) : () -> ()
    %mul3A_13 = arith.constant 4 : i32
    %mul3A_14 = arith.muli %add3A, %mul3A_13 : i32
    %add3A_15 = arith.constant 3 : i32
    %add3A_16 = arith.addi %mul3A_14, %add3A_15 : i32
    "tpu.region"() ({
      %run_scoped3A = tpu.sem_alloc : memref<!tpu.dma_semaphore, #tpu.memory_space<semaphore_mem>>
      %dma_start3A = arith.constant 0 : i32
      %dma_start3A_38 = tpu.memref_slice %arg2[%add3A_16, %dma_start3A] : memref<128x10000xf32, #tpu.memory_space<hbm>> -> memref<1x10000xf32, #tpu.memory_space<hbm>>
      %dma_start3A_39 = tpu.memref_squeeze %dma_start3A_38 : memref<1x10000xf32, #tpu.memory_space<hbm>> -> memref<10000xf32, #tpu.memory_space<hbm>>
      %dma_start3A_40 = arith.constant 0 : i32
      %dma_start3A_41 = tpu.memref_slice %arg2[%add3A_16, %dma_start3A_40] : memref<128x10000xf32, #tpu.memory_space<hbm>> -> memref<1x10000xf32, #tpu.memory_space<hbm>>
      %dma_start3A_42 = tpu.memref_squeeze %dma_start3A_41 : memref<1x10000xf32, #tpu.memory_space<hbm>> -> memref<10000xf32, #tpu.memory_space<hbm>>
      tpu.enqueue_dma source(%dma_start3A_42 : memref<10000xf32, #tpu.memory_space<hbm>>) target(%arg9 : memref<10000xf32, #tpu.memory_space<vmem>>) target_semaphore(%run_scoped3A : memref<!tpu.dma_semaphore, #tpu.memory_space<semaphore_mem>>)
      %dma_wait3A = arith.constant 0 : i32
      %dma_wait3A_43 = tpu.memref_slice %arg2[%add3A_16, %dma_wait3A] : memref<128x10000xf32, #tpu.memory_space<hbm>> -> memref<1x10000xf32, #tpu.memory_space<hbm>>
      %dma_wait3A_44 = tpu.memref_squeeze %dma_wait3A_43 : memref<1x10000xf32, #tpu.memory_space<hbm>> -> memref<10000xf32, #tpu.memory_space<hbm>>
      %dma_wait3A_45 = arith.constant 0 : i32
      %dma_wait3A_46 = tpu.memref_slice %arg2[%add3A_16, %dma_wait3A_45] : memref<128x10000xf32, #tpu.memory_space<hbm>> -> memref<1x10000xf32, #tpu.memory_space<hbm>>
      %dma_wait3A_47 = tpu.memref_squeeze %dma_wait3A_46 : memref<1x10000xf32, #tpu.memory_space<hbm>> -> memref<10000xf32, #tpu.memory_space<hbm>>
      tpu.wait_dma2 semaphore(%run_scoped3A : memref<!tpu.dma_semaphore, #tpu.memory_space<semaphore_mem>>) src(%dma_wait3A_47 : memref<10000xf32, #tpu.memory_space<hbm>>) dst(%arg9 : memref<10000xf32, #tpu.memory_space<vmem>>)
      tpu.yield
    }) : () -> ()
    "tpu.region"() ({
      %run_scoped3A = tpu.sem_alloc : memref<!tpu.dma_semaphore, #tpu.memory_space<semaphore_mem>>
      tpu.enqueue_dma source(%arg4 : memref<10016xf32, #tpu.memory_space<hbm>>) target(%arg13 : memref<10016xf32, #tpu.memory_space<vmem>>) target_semaphore(%run_scoped3A : memref<!tpu.dma_semaphore, #tpu.memory_space<semaphore_mem>>)
      tpu.wait_dma2 semaphore(%run_scoped3A : memref<!tpu.dma_semaphore, #tpu.memory_space<semaphore_mem>>) src(%arg4 : memref<10016xf32, #tpu.memory_space<hbm>>) dst(%arg13 : memref<10016xf32, #tpu.memory_space<vmem>>)
      tpu.yield
    }) : () -> ()
    %scan3A = arith.constant 0 : i32
    %scan3A_17 = arith.constant 0 : i32
    %scan3A_18 = arith.constant 79 : i32
    %scan3A_19 = arith.addi %scan3A_17, %scan3A_18 : i32
    %scan3A_20 = arith.constant 1 : i32
    scf.for %scan3A_38 = %scan3A_17 to %scan3A_19 step %scan3A_20  : i32 {
      %mul3A_39 = arith.constant 4096 : i32
      %mul3A_40 = arith.muli %scan3A_38, %mul3A_39 : i32
      "tpu.region"() ({
        %run_scoped3A = tpu.sem_alloc : memref<!tpu.dma_semaphore, #tpu.memory_space<semaphore_mem>>
        %dma_start3A = tpu.memref_slice %arg3[%mul3A_40] : memref<323584xi32, #tpu.memory_space<hbm>> -> memref<4096xi32, #tpu.memory_space<hbm>>
        %dma_start3A_47 = tpu.memref_slice %arg3[%mul3A_40] : memref<323584xi32, #tpu.memory_space<hbm>> -> memref<4096xi32, #tpu.memory_space<hbm>>
        tpu.enqueue_dma source(%dma_start3A_47 : memref<4096xi32, #tpu.memory_space<hbm>>) target(%arg14 : memref<4096xi32, #tpu.memory_space<vmem>>) target_semaphore(%run_scoped3A : memref<!tpu.dma_semaphore, #tpu.memory_space<semaphore_mem>>)
        %dma_wait3A = tpu.memref_slice %arg3[%mul3A_40] : memref<323584xi32, #tpu.memory_space<hbm>> -> memref<4096xi32, #tpu.memory_space<hbm>>
        %dma_wait3A_48 = tpu.memref_slice %arg3[%mul3A_40] : memref<323584xi32, #tpu.memory_space<hbm>> -> memref<4096xi32, #tpu.memory_space<hbm>>
        tpu.wait_dma2 semaphore(%run_scoped3A : memref<!tpu.dma_semaphore, #tpu.memory_space<semaphore_mem>>) src(%dma_wait3A_48 : memref<4096xi32, #tpu.memory_space<hbm>>) dst(%arg14 : memref<4096xi32, #tpu.memory_space<vmem>>)
        tpu.yield
      }) : () -> ()
      %scan3A_41 = arith.constant 0 : i32
      %scan3A_42 = arith.constant 0 : i32
      %scan3A_43 = arith.constant 32 : i32
      %scan3A_44 = arith.addi %scan3A_42, %scan3A_43 : i32
      %scan3A_45 = arith.constant 1 : i32
      scf.for %scan3A_47 = %scan3A_42 to %scan3A_44 step %scan3A_45  : i32 {
        %mul3A_48 = arith.constant 128 : i32
        %mul3A_49 = arith.muli %scan3A_47, %mul3A_48 : i32
        %add3A_50 = arith.constant 0 : i32
        %add3A_51 = arith.addi %mul3A_49, %add3A_50 : i32
        %get3A = arith.index_cast %add3A_51 : i32 to index
        %get3A_52 = tpu.vector_load %arg14[%get3A] {strides = array<i32>} : memref<4096xi32, #tpu.memory_space<vmem>>, vector<16xi32>,
        %shift_right_logical3A = arith.constant 14 : i32
        %shift_right_logical3A_53 = vector.broadcast %shift_right_logical3A : i32 to vector<16xi32>
        %shift_right_logical3A_54 = arith.shrui %get3A_52, %shift_right_logical3A_53 : vector<16xi32>
        %and3A = arith.constant 16383 : i32
        %and3A_55 = vector.broadcast %and3A : i32 to vector<16xi32>
        %and3A_56 = arith.andi %get3A_52, %and3A_55 : vector<16xi32>
        %gather3A = tpu.vector_load_idx %arg6[%shift_right_logical3A_54] : memref<10000xf32, #tpu.memory_space<vmem>>[vector<16xi32>], vector<16xf32>,
        tpu.vector_store_idx %arg10[%and3A_56], %gather3A {add = true} : memref<10016xf32, #tpu.memory_space<vmem>>[vector<16xi32>], vector<16xf32>,
        %gather3A_57 = tpu.vector_load_idx %arg7[%shift_right_logical3A_54] : memref<10000xf32, #tpu.memory_space<vmem>>[vector<16xi32>], vector<16xf32>,
        tpu.vector_store_idx %arg11[%and3A_56], %gather3A_57 {add = true} : memref<10016xf32, #tpu.memory_space<vmem>>[vector<16xi32>], vector<16xf32>,
        %gather3A_58 = tpu.vector_load_idx %arg8[%shift_right_logical3A_54] : memref<10000xf32, #tpu.memory_space<vmem>>[vector<16xi32>], vector<16xf32>,
        tpu.vector_store_idx %arg12[%and3A_56], %gather3A_58 {add = true} : memref<10016xf32, #tpu.memory_space<vmem>>[vector<16xi32>], vector<16xf32>,
        %gather3A_59 = tpu.vector_load_idx %arg9[%shift_right_logical3A_54] : memref<10000xf32, #tpu.memory_space<vmem>>[vector<16xi32>], vector<16xf32>,
        tpu.vector_store_idx %arg13[%and3A_56], %gather3A_59 {add = true} : memref<10016xf32, #tpu.memory_space<vmem>>[vector<16xi32>], vector<16xf32>,
        %add3A_60 = arith.constant 16 : i32
        %add3A_61 = arith.addi %mul3A_49, %add3A_60 : i32
        %get3A_62 = arith.index_cast %add3A_61 : i32 to index
        %get3A_63 = tpu.vector_load %arg14[%get3A_62] {strides = array<i32>} : memref<4096xi32, #tpu.memory_space<vmem>>, vector<16xi32>,
        %shift_right_logical3A_64 = arith.constant 14 : i32
        %shift_right_logical3A_65 = vector.broadcast %shift_right_logical3A_64 : i32 to vector<16xi32>
        %shift_right_logical3A_66 = arith.shrui %get3A_63, %shift_right_logical3A_65 : vector<16xi32>
        %and3A_67 = arith.constant 16383 : i32
        %and3A_68 = vector.broadcast %and3A_67 : i32 to vector<16xi32>
        %and3A_69 = arith.andi %get3A_63, %and3A_68 : vector<16xi32>
        %gather3A_70 = tpu.vector_load_idx %arg6[%shift_right_logical3A_66] : memref<10000xf32, #tpu.memory_space<vmem>>[vector<16xi32>], vector<16xf32>,
        tpu.vector_store_idx %arg10[%and3A_69], %gather3A_70 {add = true} : memref<10016xf32, #tpu.memory_space<vmem>>[vector<16xi32>], vector<16xf32>,
        %gather3A_71 = tpu.vector_load_idx %arg7[%shift_right_logical3A_66] : memref<10000xf32, #tpu.memory_space<vmem>>[vector<16xi32>], vector<16xf32>,
        tpu.vector_store_idx %arg11[%and3A_69], %gather3A_71 {add = true} : memref<10016xf32, #tpu.memory_space<vmem>>[vector<16xi32>], vector<16xf32>,
        %gather3A_72 = tpu.vector_load_idx %arg8[%shift_right_logical3A_66] : memref<10000xf32, #tpu.memory_space<vmem>>[vector<16xi32>], vector<16xf32>,
        tpu.vector_store_idx %arg12[%and3A_69], %gather3A_72 {add = true} : memref<10016xf32, #tpu.memory_space<vmem>>[vector<16xi32>], vector<16xf32>,
        %gather3A_73 = tpu.vector_load_idx %arg9[%shift_right_logical3A_66] : memref<10000xf32, #tpu.memory_space<vmem>>[vector<16xi32>], vector<16xf32>,
        tpu.vector_store_idx %arg13[%and3A_69], %gather3A_73 {add = true} : memref<10016xf32, #tpu.memory_space<vmem>>[vector<16xi32>], vector<16xf32>,
        %add3A_74 = arith.constant 32 : i32
        %add3A_75 = arith.addi %mul3A_49, %add3A_74 : i32
        %get3A_76 = arith.index_cast %add3A_75 : i32 to index
        %get3A_77 = tpu.vector_load %arg14[%get3A_76] {strides = array<i32>} : memref<4096xi32, #tpu.memory_space<vmem>>, vector<16xi32>,
        %shift_right_logical3A_78 = arith.constant 14 : i32
        %shift_right_logical3A_79 = vector.broadcast %shift_right_logical3A_78 : i32 to vector<16xi32>
        %shift_right_logical3A_80 = arith.shrui %get3A_77, %shift_right_logical3A_79 : vector<16xi32>
        %and3A_81 = arith.constant 16383 : i32
        %and3A_82 = vector.broadcast %and3A_81 : i32 to vector<16xi32>
        %and3A_83 = arith.andi %get3A_77, %and3A_82 : vector<16xi32>
        %gather3A_84 = tpu.vector_load_idx %arg6[%shift_right_logical3A_80] : memref<10000xf32, #tpu.memory_space<vmem>>[vector<16xi32>], vector<16xf32>,
        tpu.vector_store_idx %arg10[%and3A_83], %gather3A_84 {add = true} : memref<10016xf32, #tpu.memory_space<vmem>>[vector<16xi32>], vector<16xf32>,
        %gather3A_85 = tpu.vector_load_idx %arg7[%shift_right_logical3A_80] : memref<10000xf32, #tpu.memory_space<vmem>>[vector<16xi32>], vector<16xf32>,
        tpu.vector_store_idx %arg11[%and3A_83], %gather3A_85 {add = true} : memref<10016xf32, #tpu.memory_space<vmem>>[vector<16xi32>], vector<16xf32>,
        %gather3A_86 = tpu.vector_load_idx %arg8[%shift_right_logical3A_80] : memref<10000xf32, #tpu.memory_space<vmem>>[vector<16xi32>], vector<16xf32>,
        tpu.vector_store_idx %arg12[%and3A_83], %gather3A_86 {add = true} : memref<10016xf32, #tpu.memory_space<vmem>>[vector<16xi32>], vector<16xf32>,
        %gather3A_87 = tpu.vector_load_idx %arg9[%shift_right_logical3A_80] : memref<10000xf32, #tpu.memory_space<vmem>>[vector<16xi32>], vector<16xf32>,
        tpu.vector_store_idx %arg13[%and3A_83], %gather3A_87 {add = true} : memref<10016xf32, #tpu.memory_space<vmem>>[vector<16xi32>], vector<16xf32>,
        %add3A_88 = arith.constant 48 : i32
        %add3A_89 = arith.addi %mul3A_49, %add3A_88 : i32
        %get3A_90 = arith.index_cast %add3A_89 : i32 to index
        %get3A_91 = tpu.vector_load %arg14[%get3A_90] {strides = array<i32>} : memref<4096xi32, #tpu.memory_space<vmem>>, vector<16xi32>,
        %shift_right_logical3A_92 = arith.constant 14 : i32
        %shift_right_logical3A_93 = vector.broadcast %shift_right_logical3A_92 : i32 to vector<16xi32>
        %shift_right_logical3A_94 = arith.shrui %get3A_91, %shift_right_logical3A_93 : vector<16xi32>
        %and3A_95 = arith.constant 16383 : i32
        %and3A_96 = vector.broadcast %and3A_95 : i32 to vector<16xi32>
        %and3A_97 = arith.andi %get3A_91, %and3A_96 : vector<16xi32>
        %gather3A_98 = tpu.vector_load_idx %arg6[%shift_right_logical3A_94] : memref<10000xf32, #tpu.memory_space<vmem>>[vector<16xi32>], vector<16xf32>,
        tpu.vector_store_idx %arg10[%and3A_97], %gather3A_98 {add = true} : memref<10016xf32, #tpu.memory_space<vmem>>[vector<16xi32>], vector<16xf32>,
        %gather3A_99 = tpu.vector_load_idx %arg7[%shift_right_logical3A_94] : memref<10000xf32, #tpu.memory_space<vmem>>[vector<16xi32>], vector<16xf32>,
        tpu.vector_store_idx %arg11[%and3A_97], %gather3A_99 {add = true} : memref<10016xf32, #tpu.memory_space<vmem>>[vector<16xi32>], vector<16xf32>,
        %gather3A_100 = tpu.vector_load_idx %arg8[%shift_right_logical3A_94] : memref<10000xf32, #tpu.memory_space<vmem>>[vector<16xi32>], vector<16xf32>,
        tpu.vector_store_idx %arg12[%and3A_97], %gather3A_100 {add = true} : memref<10016xf32, #tpu.memory_space<vmem>>[vector<16xi32>], vector<16xf32>,
        %gather3A_101 = tpu.vector_load_idx %arg9[%shift_right_logical3A_94] : memref<10000xf32, #tpu.memory_space<vmem>>[vector<16xi32>], vector<16xf32>,
        tpu.vector_store_idx %arg13[%and3A_97], %gather3A_101 {add = true} : memref<10016xf32, #tpu.memory_space<vmem>>[vector<16xi32>], vector<16xf32>,
        %add3A_102 = arith.constant 64 : i32
        %add3A_103 = arith.addi %mul3A_49, %add3A_102 : i32
        %get3A_104 = arith.index_cast %add3A_103 : i32 to index
        %get3A_105 = tpu.vector_load %arg14[%get3A_104] {strides = array<i32>} : memref<4096xi32, #tpu.memory_space<vmem>>, vector<16xi32>,
        %shift_right_logical3A_106 = arith.constant 14 : i32
        %shift_right_logical3A_107 = vector.broadcast %shift_right_logical3A_106 : i32 to vector<16xi32>
        %shift_right_logical3A_108 = arith.shrui %get3A_105, %shift_right_logical3A_107 : vector<16xi32>
        %and3A_109 = arith.constant 16383 : i32
        %and3A_110 = vector.broadcast %and3A_109 : i32 to vector<16xi32>
        %and3A_111 = arith.andi %get3A_105, %and3A_110 : vector<16xi32>
        %gather3A_112 = tpu.vector_load_idx %arg6[%shift_right_logical3A_108] : memref<10000xf32, #tpu.memory_space<vmem>>[vector<16xi32>], vector<16xf32>,
        tpu.vector_store_idx %arg10[%and3A_111], %gather3A_112 {add = true} : memref<10016xf32, #tpu.memory_space<vmem>>[vector<16xi32>], vector<16xf32>,
        %gather3A_113 = tpu.vector_load_idx %arg7[%shift_right_logical3A_108] : memref<10000xf32, #tpu.memory_space<vmem>>[vector<16xi32>], vector<16xf32>,
        tpu.vector_store_idx %arg11[%and3A_111], %gather3A_113 {add = true} : memref<10016xf32, #tpu.memory_space<vmem>>[vector<16xi32>], vector<16xf32>,
        %gather3A_114 = tpu.vector_load_idx %arg8[%shift_right_logical3A_108] : memref<10000xf32, #tpu.memory_space<vmem>>[vector<16xi32>], vector<16xf32>,
        tpu.vector_store_idx %arg12[%and3A_111], %gather3A_114 {add = true} : memref<10016xf32, #tpu.memory_space<vmem>>[vector<16xi32>], vector<16xf32>,
        %gather3A_115 = tpu.vector_load_idx %arg9[%shift_right_logical3A_108] : memref<10000xf32, #tpu.memory_space<vmem>>[vector<16xi32>], vector<16xf32>,
        tpu.vector_store_idx %arg13[%and3A_111], %gather3A_115 {add = true} : memref<10016xf32, #tpu.memory_space<vmem>>[vector<16xi32>], vector<16xf32>,
        %add3A_116 = arith.constant 80 : i32
        %add3A_117 = arith.addi %mul3A_49, %add3A_116 : i32
        %get3A_118 = arith.index_cast %add3A_117 : i32 to index
        %get3A_119 = tpu.vector_load %arg14[%get3A_118] {strides = array<i32>} : memref<4096xi32, #tpu.memory_space<vmem>>, vector<16xi32>,
        %shift_right_logical3A_120 = arith.constant 14 : i32
        %shift_right_logical3A_121 = vector.broadcast %shift_right_logical3A_120 : i32 to vector<16xi32>
        %shift_right_logical3A_122 = arith.shrui %get3A_119, %shift_right_logical3A_121 : vector<16xi32>
        %and3A_123 = arith.constant 16383 : i32
        %and3A_124 = vector.broadcast %and3A_123 : i32 to vector<16xi32>
        %and3A_125 = arith.andi %get3A_119, %and3A_124 : vector<16xi32>
        %gather3A_126 = tpu.vector_load_idx %arg6[%shift_right_logical3A_122] : memref<10000xf32, #tpu.memory_space<vmem>>[vector<16xi32>], vector<16xf32>,
        tpu.vector_store_idx %arg10[%and3A_125], %gather3A_126 {add = true} : memref<10016xf32, #tpu.memory_space<vmem>>[vector<16xi32>], vector<16xf32>,
        %gather3A_127 = tpu.vector_load_idx %arg7[%shift_right_logical3A_122] : memref<10000xf32, #tpu.memory_space<vmem>>[vector<16xi32>], vector<16xf32>,
        tpu.vector_store_idx %arg11[%and3A_125], %gather3A_127 {add = true} : memref<10016xf32, #tpu.memory_space<vmem>>[vector<16xi32>], vector<16xf32>,
        %gather3A_128 = tpu.vector_load_idx %arg8[%shift_right_logical3A_122] : memref<10000xf32, #tpu.memory_space<vmem>>[vector<16xi32>], vector<16xf32>,
        tpu.vector_store_idx %arg12[%and3A_125], %gather3A_128 {add = true} : memref<10016xf32, #tpu.memory_space<vmem>>[vector<16xi32>], vector<16xf32>,
        %gather3A_129 = tpu.vector_load_idx %arg9[%shift_right_logical3A_122] : memref<10000xf32, #tpu.memory_space<vmem>>[vector<16xi32>], vector<16xf32>,
        tpu.vector_store_idx %arg13[%and3A_125], %gather3A_129 {add = true} : memref<10016xf32, #tpu.memory_space<vmem>>[vector<16xi32>], vector<16xf32>,
        %add3A_130 = arith.constant 96 : i32
        %add3A_131 = arith.addi %mul3A_49, %add3A_130 : i32
        %get3A_132 = arith.index_cast %add3A_131 : i32 to index
        %get3A_133 = tpu.vector_load %arg14[%get3A_132] {strides = array<i32>} : memref<4096xi32, #tpu.memory_space<vmem>>, vector<16xi32>,
        %shift_right_logical3A_134 = arith.constant 14 : i32
        %shift_right_logical3A_135 = vector.broadcast %shift_right_logical3A_134 : i32 to vector<16xi32>
        %shift_right_logical3A_136 = arith.shrui %get3A_133, %shift_right_logical3A_135 : vector<16xi32>
        %and3A_137 = arith.constant 16383 : i32
        %and3A_138 = vector.broadcast %and3A_137 : i32 to vector<16xi32>
        %and3A_139 = arith.andi %get3A_133, %and3A_138 : vector<16xi32>
        %gather3A_140 = tpu.vector_load_idx %arg6[%shift_right_logical3A_136] : memref<10000xf32, #tpu.memory_space<vmem>>[vector<16xi32>], vector<16xf32>,
        tpu.vector_store_idx %arg10[%and3A_139], %gather3A_140 {add = true} : memref<10016xf32, #tpu.memory_space<vmem>>[vector<16xi32>], vector<16xf32>,
        %gather3A_141 = tpu.vector_load_idx %arg7[%shift_right_logical3A_136] : memref<10000xf32, #tpu.memory_space<vmem>>[vector<16xi32>], vector<16xf32>,
        tpu.vector_store_idx %arg11[%and3A_139], %gather3A_141 {add = true} : memref<10016xf32, #tpu.memory_space<vmem>>[vector<16xi32>], vector<16xf32>,
        %gather3A_142 = tpu.vector_load_idx %arg8[%shift_right_logical3A_136] : memref<10000xf32, #tpu.memory_space<vmem>>[vector<16xi32>], vector<16xf32>,
        tpu.vector_store_idx %arg12[%and3A_139], %gather3A_142 {add = true} : memref<10016xf32, #tpu.memory_space<vmem>>[vector<16xi32>], vector<16xf32>,
        %gather3A_143 = tpu.vector_load_idx %arg9[%shift_right_logical3A_136] : memref<10000xf32, #tpu.memory_space<vmem>>[vector<16xi32>], vector<16xf32>,
        tpu.vector_store_idx %arg13[%and3A_139], %gather3A_143 {add = true} : memref<10016xf32, #tpu.memory_space<vmem>>[vector<16xi32>], vector<16xf32>,
        %add3A_144 = arith.constant 112 : i32
        %add3A_145 = arith.addi %mul3A_49, %add3A_144 : i32
        %get3A_146 = arith.index_cast %add3A_145 : i32 to index
        %get3A_147 = tpu.vector_load %arg14[%get3A_146] {strides = array<i32>} : memref<4096xi32, #tpu.memory_space<vmem>>, vector<16xi32>,
        %shift_right_logical3A_148 = arith.constant 14 : i32
        %shift_right_logical3A_149 = vector.broadcast %shift_right_logical3A_148 : i32 to vector<16xi32>
        %shift_right_logical3A_150 = arith.shrui %get3A_147, %shift_right_logical3A_149 : vector<16xi32>
        %and3A_151 = arith.constant 16383 : i32
        %and3A_152 = vector.broadcast %and3A_151 : i32 to vector<16xi32>
        %and3A_153 = arith.andi %get3A_147, %and3A_152 : vector<16xi32>
        %gather3A_154 = tpu.vector_load_idx %arg6[%shift_right_logical3A_150] : memref<10000xf32, #tpu.memory_space<vmem>>[vector<16xi32>], vector<16xf32>,
        tpu.vector_store_idx %arg10[%and3A_153], %gather3A_154 {add = true} : memref<10016xf32, #tpu.memory_space<vmem>>[vector<16xi32>], vector<16xf32>,
        %gather3A_155 = tpu.vector_load_idx %arg7[%shift_right_logical3A_150] : memref<10000xf32, #tpu.memory_space<vmem>>[vector<16xi32>], vector<16xf32>,
        tpu.vector_store_idx %arg11[%and3A_153], %gather3A_155 {add = true} : memref<10016xf32, #tpu.memory_space<vmem>>[vector<16xi32>], vector<16xf32>,
        %gather3A_156 = tpu.vector_load_idx %arg8[%shift_right_logical3A_150] : memref<10000xf32, #tpu.memory_space<vmem>>[vector<16xi32>], vector<16xf32>,
        tpu.vector_store_idx %arg12[%and3A_153], %gather3A_156 {add = true} : memref<10016xf32, #tpu.memory_space<vmem>>[vector<16xi32>], vector<16xf32>,
        %gather3A_157 = tpu.vector_load_idx %arg9[%shift_right_logical3A_150] : memref<10000xf32, #tpu.memory_space<vmem>>[vector<16xi32>], vector<16xf32>,
        tpu.vector_store_idx %arg13[%and3A_153], %gather3A_157 {add = true} : memref<10016xf32, #tpu.memory_space<vmem>>[vector<16xi32>], vector<16xf32>,
      }
      %scan3A_46 = arith.constant 32 : i32
    }
    %scan3A_21 = arith.constant 79 : i32
    %mul3A_22 = arith.constant 4 : i32
    %mul3A_23 = arith.muli %add3A, %mul3A_22 : i32
    %add3A_24 = arith.constant 0 : i32
    %add3A_25 = arith.addi %mul3A_23, %add3A_24 : i32
    "tpu.region"() ({
      %run_scoped3A = tpu.sem_alloc : memref<!tpu.dma_semaphore, #tpu.memory_space<semaphore_mem>>
      %dma_start3A = arith.constant 0 : i32
      %dma_start3A_38 = tpu.memref_slice %arg5[%add3A_25, %dma_start3A] : memref<128x10016xf32, #tpu.memory_space<hbm>> -> memref<1x10016xf32, #tpu.memory_space<hbm>>
      %dma_start3A_39 = tpu.memref_squeeze %dma_start3A_38 : memref<1x10016xf32, #tpu.memory_space<hbm>> -> memref<10016xf32, #tpu.memory_space<hbm>>
      %dma_start3A_40 = arith.constant 0 : i32
      %dma_start3A_41 = tpu.memref_slice %arg5[%add3A_25, %dma_start3A_40] : memref<128x10016xf32, #tpu.memory_space<hbm>> -> memref<1x10016xf32, #tpu.memory_space<hbm>>
      %dma_start3A_42 = tpu.memref_squeeze %dma_start3A_41 : memref<1x10016xf32, #tpu.memory_space<hbm>> -> memref<10016xf32, #tpu.memory_space<hbm>>
      tpu.enqueue_dma source(%arg10 : memref<10016xf32, #tpu.memory_space<vmem>>) target(%dma_start3A_42 : memref<10016xf32, #tpu.memory_space<hbm>>) target_semaphore(%run_scoped3A : memref<!tpu.dma_semaphore, #tpu.memory_space<semaphore_mem>>)
      %dma_wait3A = arith.constant 0 : i32
      %dma_wait3A_43 = tpu.memref_slice %arg5[%add3A_25, %dma_wait3A] : memref<128x10016xf32, #tpu.memory_space<hbm>> -> memref<1x10016xf32, #tpu.memory_space<hbm>>
      %dma_wait3A_44 = tpu.memref_squeeze %dma_wait3A_43 : memref<1x10016xf32, #tpu.memory_space<hbm>> -> memref<10016xf32, #tpu.memory_space<hbm>>
      %dma_wait3A_45 = arith.constant 0 : i32
      %dma_wait3A_46 = tpu.memref_slice %arg5[%add3A_25, %dma_wait3A_45] : memref<128x10016xf32, #tpu.memory_space<hbm>> -> memref<1x10016xf32, #tpu.memory_space<hbm>>
      %dma_wait3A_47 = tpu.memref_squeeze %dma_wait3A_46 : memref<1x10016xf32, #tpu.memory_space<hbm>> -> memref<10016xf32, #tpu.memory_space<hbm>>
      tpu.wait_dma2 semaphore(%run_scoped3A : memref<!tpu.dma_semaphore, #tpu.memory_space<semaphore_mem>>) src(%arg10 : memref<10016xf32, #tpu.memory_space<vmem>>) dst(%dma_wait3A_47 : memref<10016xf32, #tpu.memory_space<hbm>>)
      tpu.yield
    }) : () -> ()
    %mul3A_26 = arith.constant 4 : i32
    %mul3A_27 = arith.muli %add3A, %mul3A_26 : i32
    %add3A_28 = arith.constant 1 : i32
    %add3A_29 = arith.addi %mul3A_27, %add3A_28 : i32
    "tpu.region"() ({
      %run_scoped3A = tpu.sem_alloc : memref<!tpu.dma_semaphore, #tpu.memory_space<semaphore_mem>>
      %dma_start3A = arith.constant 0 : i32
      %dma_start3A_38 = tpu.memref_slice %arg5[%add3A_29, %dma_start3A] : memref<128x10016xf32, #tpu.memory_space<hbm>> -> memref<1x10016xf32, #tpu.memory_space<hbm>>
      %dma_start3A_39 = tpu.memref_squeeze %dma_start3A_38 : memref<1x10016xf32, #tpu.memory_space<hbm>> -> memref<10016xf32, #tpu.memory_space<hbm>>
      %dma_start3A_40 = arith.constant 0 : i32
      %dma_start3A_41 = tpu.memref_slice %arg5[%add3A_29, %dma_start3A_40] : memref<128x10016xf32, #tpu.memory_space<hbm>> -> memref<1x10016xf32, #tpu.memory_space<hbm>>
      %dma_start3A_42 = tpu.memref_squeeze %dma_start3A_41 : memref<1x10016xf32, #tpu.memory_space<hbm>> -> memref<10016xf32, #tpu.memory_space<hbm>>
      tpu.enqueue_dma source(%arg11 : memref<10016xf32, #tpu.memory_space<vmem>>) target(%dma_start3A_42 : memref<10016xf32, #tpu.memory_space<hbm>>) target_semaphore(%run_scoped3A : memref<!tpu.dma_semaphore, #tpu.memory_space<semaphore_mem>>)
      %dma_wait3A = arith.constant 0 : i32
      %dma_wait3A_43 = tpu.memref_slice %arg5[%add3A_29, %dma_wait3A] : memref<128x10016xf32, #tpu.memory_space<hbm>> -> memref<1x10016xf32, #tpu.memory_space<hbm>>
      %dma_wait3A_44 = tpu.memref_squeeze %dma_wait3A_43 : memref<1x10016xf32, #tpu.memory_space<hbm>> -> memref<10016xf32, #tpu.memory_space<hbm>>
      %dma_wait3A_45 = arith.constant 0 : i32
      %dma_wait3A_46 = tpu.memref_slice %arg5[%add3A_29, %dma_wait3A_45] : memref<128x10016xf32, #tpu.memory_space<hbm>> -> memref<1x10016xf32, #tpu.memory_space<hbm>>
      %dma_wait3A_47 = tpu.memref_squeeze %dma_wait3A_46 : memref<1x10016xf32, #tpu.memory_space<hbm>> -> memref<10016xf32, #tpu.memory_space<hbm>>
      tpu.wait_dma2 semaphore(%run_scoped3A : memref<!tpu.dma_semaphore, #tpu.memory_space<semaphore_mem>>) src(%arg11 : memref<10016xf32, #tpu.memory_space<vmem>>) dst(%dma_wait3A_47 : memref<10016xf32, #tpu.memory_space<hbm>>)
      tpu.yield
    }) : () -> ()
    %mul3A_30 = arith.constant 4 : i32
    %mul3A_31 = arith.muli %add3A, %mul3A_30 : i32
    %add3A_32 = arith.constant 2 : i32
    %add3A_33 = arith.addi %mul3A_31, %add3A_32 : i32
    "tpu.region"() ({
      %run_scoped3A = tpu.sem_alloc : memref<!tpu.dma_semaphore, #tpu.memory_space<semaphore_mem>>
      %dma_start3A = arith.constant 0 : i32
      %dma_start3A_38 = tpu.memref_slice %arg5[%add3A_33, %dma_start3A] : memref<128x10016xf32, #tpu.memory_space<hbm>> -> memref<1x10016xf32, #tpu.memory_space<hbm>>
      %dma_start3A_39 = tpu.memref_squeeze %dma_start3A_38 : memref<1x10016xf32, #tpu.memory_space<hbm>> -> memref<10016xf32, #tpu.memory_space<hbm>>
      %dma_start3A_40 = arith.constant 0 : i32
      %dma_start3A_41 = tpu.memref_slice %arg5[%add3A_33, %dma_start3A_40] : memref<128x10016xf32, #tpu.memory_space<hbm>> -> memref<1x10016xf32, #tpu.memory_space<hbm>>
      %dma_start3A_42 = tpu.memref_squeeze %dma_start3A_41 : memref<1x10016xf32, #tpu.memory_space<hbm>> -> memref<10016xf32, #tpu.memory_space<hbm>>
      tpu.enqueue_dma source(%arg12 : memref<10016xf32, #tpu.memory_space<vmem>>) target(%dma_start3A_42 : memref<10016xf32, #tpu.memory_space<hbm>>) target_semaphore(%run_scoped3A : memref<!tpu.dma_semaphore, #tpu.memory_space<semaphore_mem>>)
      %dma_wait3A = arith.constant 0 : i32
      %dma_wait3A_43 = tpu.memref_slice %arg5[%add3A_33, %dma_wait3A] : memref<128x10016xf32, #tpu.memory_space<hbm>> -> memref<1x10016xf32, #tpu.memory_space<hbm>>
      %dma_wait3A_44 = tpu.memref_squeeze %dma_wait3A_43 : memref<1x10016xf32, #tpu.memory_space<hbm>> -> memref<10016xf32, #tpu.memory_space<hbm>>
      %dma_wait3A_45 = arith.constant 0 : i32
      %dma_wait3A_46 = tpu.memref_slice %arg5[%add3A_33, %dma_wait3A_45] : memref<128x10016xf32, #tpu.memory_space<hbm>> -> memref<1x10016xf32, #tpu.memory_space<hbm>>
      %dma_wait3A_47 = tpu.memref_squeeze %dma_wait3A_46 : memref<1x10016xf32, #tpu.memory_space<hbm>> -> memref<10016xf32, #tpu.memory_space<hbm>>
      tpu.wait_dma2 semaphore(%run_scoped3A : memref<!tpu.dma_semaphore, #tpu.memory_space<semaphore_mem>>) src(%arg12 : memref<10016xf32, #tpu.memory_space<vmem>>) dst(%dma_wait3A_47 : memref<10016xf32, #tpu.memory_space<hbm>>)
      tpu.yield
    }) : () -> ()
    %mul3A_34 = arith.constant 4 : i32
    %mul3A_35 = arith.muli %add3A, %mul3A_34 : i32
    %add3A_36 = arith.constant 3 : i32
    %add3A_37 = arith.addi %mul3A_35, %add3A_36 : i32
    "tpu.region"() ({
      %run_scoped3A = tpu.sem_alloc : memref<!tpu.dma_semaphore, #tpu.memory_space<semaphore_mem>>
      %dma_start3A = arith.constant 0 : i32
      %dma_start3A_38 = tpu.memref_slice %arg5[%add3A_37, %dma_start3A] : memref<128x10016xf32, #tpu.memory_space<hbm>> -> memref<1x10016xf32, #tpu.memory_space<hbm>>
      %dma_start3A_39 = tpu.memref_squeeze %dma_start3A_38 : memref<1x10016xf32, #tpu.memory_space<hbm>> -> memref<10016xf32, #tpu.memory_space<hbm>>
      %dma_start3A_40 = arith.constant 0 : i32
      %dma_start3A_41 = tpu.memref_slice %arg5[%add3A_37, %dma_start3A_40] : memref<128x10016xf32, #tpu.memory_space<hbm>> -> memref<1x10016xf32, #tpu.memory_space<hbm>>
      %dma_start3A_42 = tpu.memref_squeeze %dma_start3A_41 : memref<1x10016xf32, #tpu.memory_space<hbm>> -> memref<10016xf32, #tpu.memory_space<hbm>>
      tpu.enqueue_dma source(%arg13 : memref<10016xf32, #tpu.memory_space<vmem>>) target(%dma_start3A_42 : memref<10016xf32, #tpu.memory_space<hbm>>) target_semaphore(%run_scoped3A : memref<!tpu.dma_semaphore, #tpu.memory_space<semaphore_mem>>)
      %dma_wait3A = arith.constant 0 : i32
      %dma_wait3A_43 = tpu.memref_slice %arg5[%add3A_37, %dma_wait3A] : memref<128x10016xf32, #tpu.memory_space<hbm>> -> memref<1x10016xf32, #tpu.memory_space<hbm>>
      %dma_wait3A_44 = tpu.memref_squeeze %dma_wait3A_43 : memref<1x10016xf32, #tpu.memory_space<hbm>> -> memref<10016xf32, #tpu.memory_space<hbm>>
      %dma_wait3A_45 = arith.constant 0 : i32
      %dma_wait3A_46 = tpu.memref_slice %arg5[%add3A_37, %dma_wait3A_45] : memref<128x10016xf32, #tpu.memory_space<hbm>> -> memref<1x10016xf32, #tpu.memory_space<hbm>>
      %dma_wait3A_47 = tpu.memref_squeeze %dma_wait3A_46 : memref<1x10016xf32, #tpu.memory_space<hbm>> -> memref<10016xf32, #tpu.memory_space<hbm>>
      tpu.wait_dma2 semaphore(%run_scoped3A : memref<!tpu.dma_semaphore, #tpu.memory_space<semaphore_mem>>) src(%arg13 : memref<10016xf32, #tpu.memory_space<vmem>>) dst(%dma_wait3A_47 : memref<10016xf32, #tpu.memory_space<hbm>>)
      tpu.yield
    }) : () -> ()
    return
  }
}

#map = affine_map<(d0, d1) -> (0)>
#map1 = affine_map<(d0, d1) -> (0, 0)>
module attributes {stable_mosaic.version = 14 : i64} {
  func.func @sc_degree(%arg0: i32, %arg1: i32, %arg2: memref<323584xi32, #tpu.memory_space<hbm>>, %arg3: memref<10016xf32, #tpu.memory_space<hbm>>, %arg4: memref<32x10016xf32, #tpu.memory_space<hbm>>, %arg5: memref<10112xi32, #tpu.memory_space<vmem>>, %arg6: memref<10016xf32, #tpu.memory_space<vmem>>) attributes {dimension_semantics = [#tpu.dimension_semantics<core_parallel>, #tpu.dimension_semantics<subcore_parallel>], iteration_bounds = array<i64: 2, 16>, scalar_prefetch = 0 : i64, scratch_operands = 2 : i64, tpu.core_type = #tpu.core_type<sc_vector_subcore>, window_params = [{transform_indices = #map}, {transform_indices = #map}, {transform_indices = #map1}]} {
    %mul3A = arith.constant 16 : i32
    %mul3A_0 = arith.muli %arg0, %mul3A : i32
    %add3A = arith.addi %mul3A_0, %arg1 : i32
    %mul3A_1 = arith.constant 10112 : i32
    %mul3A_2 = arith.muli %add3A, %mul3A_1 : i32
    "tpu.region"() ({
      %run_scoped3A = tpu.sem_alloc : memref<!tpu.dma_semaphore, #tpu.memory_space<semaphore_mem>>
      %dma_start3A = tpu.memref_slice %arg2[%mul3A_2] : memref<323584xi32, #tpu.memory_space<hbm>> -> memref<10112xi32, #tpu.memory_space<hbm>>
      %dma_start3A_9 = tpu.memref_slice %arg2[%mul3A_2] : memref<323584xi32, #tpu.memory_space<hbm>> -> memref<10112xi32, #tpu.memory_space<hbm>>
      tpu.enqueue_dma source(%dma_start3A_9 : memref<10112xi32, #tpu.memory_space<hbm>>) target(%arg5 : memref<10112xi32, #tpu.memory_space<vmem>>) target_semaphore(%run_scoped3A : memref<!tpu.dma_semaphore, #tpu.memory_space<semaphore_mem>>)
      %dma_wait3A = tpu.memref_slice %arg2[%mul3A_2] : memref<323584xi32, #tpu.memory_space<hbm>> -> memref<10112xi32, #tpu.memory_space<hbm>>
      %dma_wait3A_10 = tpu.memref_slice %arg2[%mul3A_2] : memref<323584xi32, #tpu.memory_space<hbm>> -> memref<10112xi32, #tpu.memory_space<hbm>>
      tpu.wait_dma2 semaphore(%run_scoped3A : memref<!tpu.dma_semaphore, #tpu.memory_space<semaphore_mem>>) src(%dma_wait3A_10 : memref<10112xi32, #tpu.memory_space<hbm>>) dst(%arg5 : memref<10112xi32, #tpu.memory_space<vmem>>)
      tpu.yield
    }) : () -> ()
    "tpu.region"() ({
      %run_scoped3A = tpu.sem_alloc : memref<!tpu.dma_semaphore, #tpu.memory_space<semaphore_mem>>
      tpu.enqueue_dma source(%arg3 : memref<10016xf32, #tpu.memory_space<hbm>>) target(%arg6 : memref<10016xf32, #tpu.memory_space<vmem>>) target_semaphore(%run_scoped3A : memref<!tpu.dma_semaphore, #tpu.memory_space<semaphore_mem>>)
      tpu.wait_dma2 semaphore(%run_scoped3A : memref<!tpu.dma_semaphore, #tpu.memory_space<semaphore_mem>>) src(%arg3 : memref<10016xf32, #tpu.memory_space<hbm>>) dst(%arg6 : memref<10016xf32, #tpu.memory_space<vmem>>)
      tpu.yield
    }) : () -> ()
    %broadcast_in_dim3A = arith.constant 1.000000e+00 : f32
    %broadcast_in_dim3A_3 = vector.broadcast %broadcast_in_dim3A : f32 to vector<16xf32>
    %scan3A = arith.constant 0 : i32
    %scan3A_4 = arith.constant 0 : i32
    %scan3A_5 = arith.constant 632 : i32
    %scan3A_6 = arith.addi %scan3A_4, %scan3A_5 : i32
    %scan3A_7 = arith.constant 1 : i32
    scf.for %scan3A_9 = %scan3A_4 to %scan3A_6 step %scan3A_7  : i32 {
      %mul3A_10 = arith.constant 16 : i32
      %mul3A_11 = arith.muli %scan3A_9, %mul3A_10 : i32
      %get3A = arith.index_cast %mul3A_11 : i32 to index
      %get3A_12 = tpu.vector_load %arg5[%get3A] {strides = array<i32>} : memref<10112xi32, #tpu.memory_space<vmem>>, vector<16xi32>,
      %and3A = arith.constant 16383 : i32
      %and3A_13 = vector.broadcast %and3A : i32 to vector<16xi32>
      %and3A_14 = arith.andi %get3A_12, %and3A_13 : vector<16xi32>
      tpu.vector_store_idx %arg6[%and3A_14], %broadcast_in_dim3A_3 {add = true} : memref<10016xf32, #tpu.memory_space<vmem>>[vector<16xi32>], vector<16xf32>,
    }
    %scan3A_8 = arith.constant 632 : i32
    "tpu.region"() ({
      %run_scoped3A = tpu.sem_alloc : memref<!tpu.dma_semaphore, #tpu.memory_space<semaphore_mem>>
      %dma_start3A = arith.constant 0 : i32
      %dma_start3A_9 = tpu.memref_slice %arg4[%add3A, %dma_start3A] : memref<32x10016xf32, #tpu.memory_space<hbm>> -> memref<1x10016xf32, #tpu.memory_space<hbm>>
      %dma_start3A_10 = tpu.memref_squeeze %dma_start3A_9 : memref<1x10016xf32, #tpu.memory_space<hbm>> -> memref<10016xf32, #tpu.memory_space<hbm>>
      %dma_start3A_11 = arith.constant 0 : i32
      %dma_start3A_12 = tpu.memref_slice %arg4[%add3A, %dma_start3A_11] : memref<32x10016xf32, #tpu.memory_space<hbm>> -> memref<1x10016xf32, #tpu.memory_space<hbm>>
      %dma_start3A_13 = tpu.memref_squeeze %dma_start3A_12 : memref<1x10016xf32, #tpu.memory_space<hbm>> -> memref<10016xf32, #tpu.memory_space<hbm>>
      tpu.enqueue_dma source(%arg6 : memref<10016xf32, #tpu.memory_space<vmem>>) target(%dma_start3A_13 : memref<10016xf32, #tpu.memory_space<hbm>>) target_semaphore(%run_scoped3A : memref<!tpu.dma_semaphore, #tpu.memory_space<semaphore_mem>>)
      %dma_wait3A = arith.constant 0 : i32
      %dma_wait3A_14 = tpu.memref_slice %arg4[%add3A, %dma_wait3A] : memref<32x10016xf32, #tpu.memory_space<hbm>> -> memref<1x10016xf32, #tpu.memory_space<hbm>>
      %dma_wait3A_15 = tpu.memref_squeeze %dma_wait3A_14 : memref<1x10016xf32, #tpu.memory_space<hbm>> -> memref<10016xf32, #tpu.memory_space<hbm>>
      %dma_wait3A_16 = arith.constant 0 : i32
      %dma_wait3A_17 = tpu.memref_slice %arg4[%add3A, %dma_wait3A_16] : memref<32x10016xf32, #tpu.memory_space<hbm>> -> memref<1x10016xf32, #tpu.memory_space<hbm>>
      %dma_wait3A_18 = tpu.memref_squeeze %dma_wait3A_17 : memref<1x10016xf32, #tpu.memory_space<hbm>> -> memref<10016xf32, #tpu.memory_space<hbm>>
      tpu.wait_dma2 semaphore(%run_scoped3A : memref<!tpu.dma_semaphore, #tpu.memory_space<semaphore_mem>>) src(%arg6 : memref<10016xf32, #tpu.memory_space<vmem>>) dst(%dma_wait3A_18 : memref<10016xf32, #tpu.memory_space<hbm>>)
      tpu.yield
    }) : () -> ()
    return
  }
}

#map = affine_map<(d0, d1) -> (0, 0)>
#map1 = affine_map<(d0, d1) -> (0)>
module attributes {stable_mosaic.version = 14 : i64} {
  func.func @sc_edge_scatter(%arg0: i32, %arg1: i32, %arg2: memref<128x10000xf32, #tpu.memory_space<hbm>>, %arg3: memref<323584xi32, #tpu.memory_space<hbm>>, %arg4: memref<10016xf32, #tpu.memory_space<hbm>>, %arg5: memref<128x10016xf32, #tpu.memory_space<hbm>>, %arg6: memref<10000xf32, #tpu.memory_space<vmem>>, %arg7: memref<10000xf32, #tpu.memory_space<vmem>>, %arg8: memref<10000xf32, #tpu.memory_space<vmem>>, %arg9: memref<10000xf32, #tpu.memory_space<vmem>>, %arg10: memref<10016xf32, #tpu.memory_space<vmem>>, %arg11: memref<10016xf32, #tpu.memory_space<vmem>>, %arg12: memref<10016xf32, #tpu.memory_space<vmem>>, %arg13: memref<10016xf32, #tpu.memory_space<vmem>>, %arg14: memref<4096xi32, #tpu.memory_space<vmem>>) attributes {dimension_semantics = [#tpu.dimension_semantics<core_parallel>, #tpu.dimension_semantics<subcore_parallel>], iteration_bounds = array<i64: 2, 16>, scalar_prefetch = 0 : i64, scratch_operands = 9 : i64, tpu.core_type = #tpu.core_type<sc_vector_subcore>, window_params = [{transform_indices = #map}, {transform_indices = #map1}, {transform_indices = #map1}, {transform_indices = #map}]} {
    %mul3A = arith.constant 16 : i32
    %mul3A_0 = arith.muli %arg0, %mul3A : i32
    %add3A = arith.addi %mul3A_0, %arg1 : i32
    %mul3A_1 = arith.constant 4 : i32
    %mul3A_2 = arith.muli %add3A, %mul3A_1 : i32
    %add3A_3 = arith.constant 0 : i32
    %add3A_4 = arith.addi %mul3A_2, %add3A_3 : i32
    "tpu.region"() ({
      %run_scoped3A = tpu.sem_alloc : memref<!tpu.dma_semaphore, #tpu.memory_space<semaphore_mem>>
      %dma_start3A = arith.constant 0 : i32
      %dma_start3A_38 = tpu.memref_slice %arg2[%add3A_4, %dma_start3A] : memref<128x10000xf32, #tpu.memory_space<hbm>> -> memref<1x10000xf32, #tpu.memory_space<hbm>>
      %dma_start3A_39 = tpu.memref_squeeze %dma_start3A_38 : memref<1x10000xf32, #tpu.memory_space<hbm>> -> memref<10000xf32, #tpu.memory_space<hbm>>
      %dma_start3A_40 = arith.constant 0 : i32
      %dma_start3A_41 = tpu.memref_slice %arg2[%add3A_4, %dma_start3A_40] : memref<128x10000xf32, #tpu.memory_space<hbm>> -> memref<1x10000xf32, #tpu.memory_space<hbm>>
      %dma_start3A_42 = tpu.memref_squeeze %dma_start3A_41 : memref<1x10000xf32, #tpu.memory_space<hbm>> -> memref<10000xf32, #tpu.memory_space<hbm>>
      tpu.enqueue_dma source(%dma_start3A_42 : memref<10000xf32, #tpu.memory_space<hbm>>) target(%arg6 : memref<10000xf32, #tpu.memory_space<vmem>>) target_semaphore(%run_scoped3A : memref<!tpu.dma_semaphore, #tpu.memory_space<semaphore_mem>>)
      %dma_wait3A = arith.constant 0 : i32
      %dma_wait3A_43 = tpu.memref_slice %arg2[%add3A_4, %dma_wait3A] : memref<128x10000xf32, #tpu.memory_space<hbm>> -> memref<1x10000xf32, #tpu.memory_space<hbm>>
      %dma_wait3A_44 = tpu.memref_squeeze %dma_wait3A_43 : memref<1x10000xf32, #tpu.memory_space<hbm>> -> memref<10000xf32, #tpu.memory_space<hbm>>
      %dma_wait3A_45 = arith.constant 0 : i32
      %dma_wait3A_46 = tpu.memref_slice %arg2[%add3A_4, %dma_wait3A_45] : memref<128x10000xf32, #tpu.memory_space<hbm>> -> memref<1x10000xf32, #tpu.memory_space<hbm>>
      %dma_wait3A_47 = tpu.memref_squeeze %dma_wait3A_46 : memref<1x10000xf32, #tpu.memory_space<hbm>> -> memref<10000xf32, #tpu.memory_space<hbm>>
      tpu.wait_dma2 semaphore(%run_scoped3A : memref<!tpu.dma_semaphore, #tpu.memory_space<semaphore_mem>>) src(%dma_wait3A_47 : memref<10000xf32, #tpu.memory_space<hbm>>) dst(%arg6 : memref<10000xf32, #tpu.memory_space<vmem>>)
      tpu.yield
    }) : () -> ()
    "tpu.region"() ({
      %run_scoped3A = tpu.sem_alloc : memref<!tpu.dma_semaphore, #tpu.memory_space<semaphore_mem>>
      tpu.enqueue_dma source(%arg4 : memref<10016xf32, #tpu.memory_space<hbm>>) target(%arg10 : memref<10016xf32, #tpu.memory_space<vmem>>) target_semaphore(%run_scoped3A : memref<!tpu.dma_semaphore, #tpu.memory_space<semaphore_mem>>)
      tpu.wait_dma2 semaphore(%run_scoped3A : memref<!tpu.dma_semaphore, #tpu.memory_space<semaphore_mem>>) src(%arg4 : memref<10016xf32, #tpu.memory_space<hbm>>) dst(%arg10 : memref<10016xf32, #tpu.memory_space<vmem>>)
      tpu.yield
    }) : () -> ()
    %mul3A_5 = arith.constant 4 : i32
    %mul3A_6 = arith.muli %add3A, %mul3A_5 : i32
    %add3A_7 = arith.constant 1 : i32
    %add3A_8 = arith.addi %mul3A_6, %add3A_7 : i32
    "tpu.region"() ({
      %run_scoped3A = tpu.sem_alloc : memref<!tpu.dma_semaphore, #tpu.memory_space<semaphore_mem>>
      %dma_start3A = arith.constant 0 : i32
      %dma_start3A_38 = tpu.memref_slice %arg2[%add3A_8, %dma_start3A] : memref<128x10000xf32, #tpu.memory_space<hbm>> -> memref<1x10000xf32, #tpu.memory_space<hbm>>
      %dma_start3A_39 = tpu.memref_squeeze %dma_start3A_38 : memref<1x10000xf32, #tpu.memory_space<hbm>> -> memref<10000xf32, #tpu.memory_space<hbm>>
      %dma_start3A_40 = arith.constant 0 : i32
      %dma_start3A_41 = tpu.memref_slice %arg2[%add3A_8, %dma_start3A_40] : memref<128x10000xf32, #tpu.memory_space<hbm>> -> memref<1x10000xf32, #tpu.memory_space<hbm>>
      %dma_start3A_42 = tpu.memref_squeeze %dma_start3A_41 : memref<1x10000xf32, #tpu.memory_space<hbm>> -> memref<10000xf32, #tpu.memory_space<hbm>>
      tpu.enqueue_dma source(%dma_start3A_42 : memref<10000xf32, #tpu.memory_space<hbm>>) target(%arg7 : memref<10000xf32, #tpu.memory_space<vmem>>) target_semaphore(%run_scoped3A : memref<!tpu.dma_semaphore, #tpu.memory_space<semaphore_mem>>)
      %dma_wait3A = arith.constant 0 : i32
      %dma_wait3A_43 = tpu.memref_slice %arg2[%add3A_8, %dma_wait3A] : memref<128x10000xf32, #tpu.memory_space<hbm>> -> memref<1x10000xf32, #tpu.memory_space<hbm>>
      %dma_wait3A_44 = tpu.memref_squeeze %dma_wait3A_43 : memref<1x10000xf32, #tpu.memory_space<hbm>> -> memref<10000xf32, #tpu.memory_space<hbm>>
      %dma_wait3A_45 = arith.constant 0 : i32
      %dma_wait3A_46 = tpu.memref_slice %arg2[%add3A_8, %dma_wait3A_45] : memref<128x10000xf32, #tpu.memory_space<hbm>> -> memref<1x10000xf32, #tpu.memory_space<hbm>>
      %dma_wait3A_47 = tpu.memref_squeeze %dma_wait3A_46 : memref<1x10000xf32, #tpu.memory_space<hbm>> -> memref<10000xf32, #tpu.memory_space<hbm>>
      tpu.wait_dma2 semaphore(%run_scoped3A : memref<!tpu.dma_semaphore, #tpu.memory_space<semaphore_mem>>) src(%dma_wait3A_47 : memref<10000xf32, #tpu.memory_space<hbm>>) dst(%arg7 : memref<10000xf32, #tpu.memory_space<vmem>>)
      tpu.yield
    }) : () -> ()
    "tpu.region"() ({
      %run_scoped3A = tpu.sem_alloc : memref<!tpu.dma_semaphore, #tpu.memory_space<semaphore_mem>>
      tpu.enqueue_dma source(%arg4 : memref<10016xf32, #tpu.memory_space<hbm>>) target(%arg11 : memref<10016xf32, #tpu.memory_space<vmem>>) target_semaphore(%run_scoped3A : memref<!tpu.dma_semaphore, #tpu.memory_space<semaphore_mem>>)
      tpu.wait_dma2 semaphore(%run_scoped3A : memref<!tpu.dma_semaphore, #tpu.memory_space<semaphore_mem>>) src(%arg4 : memref<10016xf32, #tpu.memory_space<hbm>>) dst(%arg11 : memref<10016xf32, #tpu.memory_space<vmem>>)
      tpu.yield
    }) : () -> ()
    %mul3A_9 = arith.constant 4 : i32
    %mul3A_10 = arith.muli %add3A, %mul3A_9 : i32
    %add3A_11 = arith.constant 2 : i32
    %add3A_12 = arith.addi %mul3A_10, %add3A_11 : i32
    "tpu.region"() ({
      %run_scoped3A = tpu.sem_alloc : memref<!tpu.dma_semaphore, #tpu.memory_space<semaphore_mem>>
      %dma_start3A = arith.constant 0 : i32
      %dma_start3A_38 = tpu.memref_slice %arg2[%add3A_12, %dma_start3A] : memref<128x10000xf32, #tpu.memory_space<hbm>> -> memref<1x10000xf32, #tpu.memory_space<hbm>>
      %dma_start3A_39 = tpu.memref_squeeze %dma_start3A_38 : memref<1x10000xf32, #tpu.memory_space<hbm>> -> memref<10000xf32, #tpu.memory_space<hbm>>
      %dma_start3A_40 = arith.constant 0 : i32
      %dma_start3A_41 = tpu.memref_slice %arg2[%add3A_12, %dma_start3A_40] : memref<128x10000xf32, #tpu.memory_space<hbm>> -> memref<1x10000xf32, #tpu.memory_space<hbm>>
      %dma_start3A_42 = tpu.memref_squeeze %dma_start3A_41 : memref<1x10000xf32, #tpu.memory_space<hbm>> -> memref<10000xf32, #tpu.memory_space<hbm>>
      tpu.enqueue_dma source(%dma_start3A_42 : memref<10000xf32, #tpu.memory_space<hbm>>) target(%arg8 : memref<10000xf32, #tpu.memory_space<vmem>>) target_semaphore(%run_scoped3A : memref<!tpu.dma_semaphore, #tpu.memory_space<semaphore_mem>>)
      %dma_wait3A = arith.constant 0 : i32
      %dma_wait3A_43 = tpu.memref_slice %arg2[%add3A_12, %dma_wait3A] : memref<128x10000xf32, #tpu.memory_space<hbm>> -> memref<1x10000xf32, #tpu.memory_space<hbm>>
      %dma_wait3A_44 = tpu.memref_squeeze %dma_wait3A_43 : memref<1x10000xf32, #tpu.memory_space<hbm>> -> memref<10000xf32, #tpu.memory_space<hbm>>
      %dma_wait3A_45 = arith.constant 0 : i32
      %dma_wait3A_46 = tpu.memref_slice %arg2[%add3A_12, %dma_wait3A_45] : memref<128x10000xf32, #tpu.memory_space<hbm>> -> memref<1x10000xf32, #tpu.memory_space<hbm>>
      %dma_wait3A_47 = tpu.memref_squeeze %dma_wait3A_46 : memref<1x10000xf32, #tpu.memory_space<hbm>> -> memref<10000xf32, #tpu.memory_space<hbm>>
      tpu.wait_dma2 semaphore(%run_scoped3A : memref<!tpu.dma_semaphore, #tpu.memory_space<semaphore_mem>>) src(%dma_wait3A_47 : memref<10000xf32, #tpu.memory_space<hbm>>) dst(%arg8 : memref<10000xf32, #tpu.memory_space<vmem>>)
      tpu.yield
    }) : () -> ()
    "tpu.region"() ({
      %run_scoped3A = tpu.sem_alloc : memref<!tpu.dma_semaphore, #tpu.memory_space<semaphore_mem>>
      tpu.enqueue_dma source(%arg4 : memref<10016xf32, #tpu.memory_space<hbm>>) target(%arg12 : memref<10016xf32, #tpu.memory_space<vmem>>) target_semaphore(%run_scoped3A : memref<!tpu.dma_semaphore, #tpu.memory_space<semaphore_mem>>)
      tpu.wait_dma2 semaphore(%run_scoped3A : memref<!tpu.dma_semaphore, #tpu.memory_space<semaphore_mem>>) src(%arg4 : memref<10016xf32, #tpu.memory_space<hbm>>) dst(%arg12 : memref<10016xf32, #tpu.memory_space<vmem>>)
      tpu.yield
    }) : () -> ()
    %mul3A_13 = arith.constant 4 : i32
    %mul3A_14 = arith.muli %add3A, %mul3A_13 : i32
    %add3A_15 = arith.constant 3 : i32
    %add3A_16 = arith.addi %mul3A_14, %add3A_15 : i32
    "tpu.region"() ({
      %run_scoped3A = tpu.sem_alloc : memref<!tpu.dma_semaphore, #tpu.memory_space<semaphore_mem>>
      %dma_start3A = arith.constant 0 : i32
      %dma_start3A_38 = tpu.memref_slice %arg2[%add3A_16, %dma_start3A] : memref<128x10000xf32, #tpu.memory_space<hbm>> -> memref<1x10000xf32, #tpu.memory_space<hbm>>
      %dma_start3A_39 = tpu.memref_squeeze %dma_start3A_38 : memref<1x10000xf32, #tpu.memory_space<hbm>> -> memref<10000xf32, #tpu.memory_space<hbm>>
      %dma_start3A_40 = arith.constant 0 : i32
      %dma_start3A_41 = tpu.memref_slice %arg2[%add3A_16, %dma_start3A_40] : memref<128x10000xf32, #tpu.memory_space<hbm>> -> memref<1x10000xf32, #tpu.memory_space<hbm>>
      %dma_start3A_42 = tpu.memref_squeeze %dma_start3A_41 : memref<1x10000xf32, #tpu.memory_space<hbm>> -> memref<10000xf32, #tpu.memory_space<hbm>>
      tpu.enqueue_dma source(%dma_start3A_42 : memref<10000xf32, #tpu.memory_space<hbm>>) target(%arg9 : memref<10000xf32, #tpu.memory_space<vmem>>) target_semaphore(%run_scoped3A : memref<!tpu.dma_semaphore, #tpu.memory_space<semaphore_mem>>)
      %dma_wait3A = arith.constant 0 : i32
      %dma_wait3A_43 = tpu.memref_slice %arg2[%add3A_16, %dma_wait3A] : memref<128x10000xf32, #tpu.memory_space<hbm>> -> memref<1x10000xf32, #tpu.memory_space<hbm>>
      %dma_wait3A_44 = tpu.memref_squeeze %dma_wait3A_43 : memref<1x10000xf32, #tpu.memory_space<hbm>> -> memref<10000xf32, #tpu.memory_space<hbm>>
      %dma_wait3A_45 = arith.constant 0 : i32
      %dma_wait3A_46 = tpu.memref_slice %arg2[%add3A_16, %dma_wait3A_45] : memref<128x10000xf32, #tpu.memory_space<hbm>> -> memref<1x10000xf32, #tpu.memory_space<hbm>>
      %dma_wait3A_47 = tpu.memref_squeeze %dma_wait3A_46 : memref<1x10000xf32, #tpu.memory_space<hbm>> -> memref<10000xf32, #tpu.memory_space<hbm>>
      tpu.wait_dma2 semaphore(%run_scoped3A : memref<!tpu.dma_semaphore, #tpu.memory_space<semaphore_mem>>) src(%dma_wait3A_47 : memref<10000xf32, #tpu.memory_space<hbm>>) dst(%arg9 : memref<10000xf32, #tpu.memory_space<vmem>>)
      tpu.yield
    }) : () -> ()
    "tpu.region"() ({
      %run_scoped3A = tpu.sem_alloc : memref<!tpu.dma_semaphore, #tpu.memory_space<semaphore_mem>>
      tpu.enqueue_dma source(%arg4 : memref<10016xf32, #tpu.memory_space<hbm>>) target(%arg13 : memref<10016xf32, #tpu.memory_space<vmem>>) target_semaphore(%run_scoped3A : memref<!tpu.dma_semaphore, #tpu.memory_space<semaphore_mem>>)
      tpu.wait_dma2 semaphore(%run_scoped3A : memref<!tpu.dma_semaphore, #tpu.memory_space<semaphore_mem>>) src(%arg4 : memref<10016xf32, #tpu.memory_space<hbm>>) dst(%arg13 : memref<10016xf32, #tpu.memory_space<vmem>>)
      tpu.yield
    }) : () -> ()
    %scan3A = arith.constant 0 : i32
    %scan3A_17 = arith.constant 0 : i32
    %scan3A_18 = arith.constant 79 : i32
    %scan3A_19 = arith.addi %scan3A_17, %scan3A_18 : i32
    %scan3A_20 = arith.constant 1 : i32
    scf.for %scan3A_38 = %scan3A_17 to %scan3A_19 step %scan3A_20  : i32 {
      %mul3A_39 = arith.constant 4096 : i32
      %mul3A_40 = arith.muli %scan3A_38, %mul3A_39 : i32
      "tpu.region"() ({
        %run_scoped3A = tpu.sem_alloc : memref<!tpu.dma_semaphore, #tpu.memory_space<semaphore_mem>>
        %dma_start3A = tpu.memref_slice %arg3[%mul3A_40] : memref<323584xi32, #tpu.memory_space<hbm>> -> memref<4096xi32, #tpu.memory_space<hbm>>
        %dma_start3A_47 = tpu.memref_slice %arg3[%mul3A_40] : memref<323584xi32, #tpu.memory_space<hbm>> -> memref<4096xi32, #tpu.memory_space<hbm>>
        tpu.enqueue_dma source(%dma_start3A_47 : memref<4096xi32, #tpu.memory_space<hbm>>) target(%arg14 : memref<4096xi32, #tpu.memory_space<vmem>>) target_semaphore(%run_scoped3A : memref<!tpu.dma_semaphore, #tpu.memory_space<semaphore_mem>>)
        %dma_wait3A = tpu.memref_slice %arg3[%mul3A_40] : memref<323584xi32, #tpu.memory_space<hbm>> -> memref<4096xi32, #tpu.memory_space<hbm>>
        %dma_wait3A_48 = tpu.memref_slice %arg3[%mul3A_40] : memref<323584xi32, #tpu.memory_space<hbm>> -> memref<4096xi32, #tpu.memory_space<hbm>>
        tpu.wait_dma2 semaphore(%run_scoped3A : memref<!tpu.dma_semaphore, #tpu.memory_space<semaphore_mem>>) src(%dma_wait3A_48 : memref<4096xi32, #tpu.memory_space<hbm>>) dst(%arg14 : memref<4096xi32, #tpu.memory_space<vmem>>)
        tpu.yield
      }) : () -> ()
      %scan3A_41 = arith.constant 0 : i32
      %scan3A_42 = arith.constant 0 : i32
      %scan3A_43 = arith.constant 32 : i32
      %scan3A_44 = arith.addi %scan3A_42, %scan3A_43 : i32
      %scan3A_45 = arith.constant 1 : i32
      scf.for %scan3A_47 = %scan3A_42 to %scan3A_44 step %scan3A_45  : i32 {
        %mul3A_48 = arith.constant 128 : i32
        %mul3A_49 = arith.muli %scan3A_47, %mul3A_48 : i32
        %add3A_50 = arith.constant 0 : i32
        %add3A_51 = arith.addi %mul3A_49, %add3A_50 : i32
        %get3A = arith.index_cast %add3A_51 : i32 to index
        %get3A_52 = tpu.vector_load %arg14[%get3A] {strides = array<i32>} : memref<4096xi32, #tpu.memory_space<vmem>>, vector<16xi32>,
        %shift_right_logical3A = arith.constant 14 : i32
        %shift_right_logical3A_53 = vector.broadcast %shift_right_logical3A : i32 to vector<16xi32>
        %shift_right_logical3A_54 = arith.shrui %get3A_52, %shift_right_logical3A_53 : vector<16xi32>
        %and3A = arith.constant 16383 : i32
        %and3A_55 = vector.broadcast %and3A : i32 to vector<16xi32>
        %and3A_56 = arith.andi %get3A_52, %and3A_55 : vector<16xi32>
        %gather3A = tpu.vector_load_idx %arg6[%shift_right_logical3A_54] : memref<10000xf32, #tpu.memory_space<vmem>>[vector<16xi32>], vector<16xf32>,
        tpu.vector_store_idx %arg10[%and3A_56], %gather3A {add = true} : memref<10016xf32, #tpu.memory_space<vmem>>[vector<16xi32>], vector<16xf32>,
        %gather3A_57 = tpu.vector_load_idx %arg7[%shift_right_logical3A_54] : memref<10000xf32, #tpu.memory_space<vmem>>[vector<16xi32>], vector<16xf32>,
        tpu.vector_store_idx %arg11[%and3A_56], %gather3A_57 {add = true} : memref<10016xf32, #tpu.memory_space<vmem>>[vector<16xi32>], vector<16xf32>,
        %gather3A_58 = tpu.vector_load_idx %arg8[%shift_right_logical3A_54] : memref<10000xf32, #tpu.memory_space<vmem>>[vector<16xi32>], vector<16xf32>,
        tpu.vector_store_idx %arg12[%and3A_56], %gather3A_58 {add = true} : memref<10016xf32, #tpu.memory_space<vmem>>[vector<16xi32>], vector<16xf32>,
        %gather3A_59 = tpu.vector_load_idx %arg9[%shift_right_logical3A_54] : memref<10000xf32, #tpu.memory_space<vmem>>[vector<16xi32>], vector<16xf32>,
        tpu.vector_store_idx %arg13[%and3A_56], %gather3A_59 {add = true} : memref<10016xf32, #tpu.memory_space<vmem>>[vector<16xi32>], vector<16xf32>,
        %add3A_60 = arith.constant 16 : i32
        %add3A_61 = arith.addi %mul3A_49, %add3A_60 : i32
        %get3A_62 = arith.index_cast %add3A_61 : i32 to index
        %get3A_63 = tpu.vector_load %arg14[%get3A_62] {strides = array<i32>} : memref<4096xi32, #tpu.memory_space<vmem>>, vector<16xi32>,
        %shift_right_logical3A_64 = arith.constant 14 : i32
        %shift_right_logical3A_65 = vector.broadcast %shift_right_logical3A_64 : i32 to vector<16xi32>
        %shift_right_logical3A_66 = arith.shrui %get3A_63, %shift_right_logical3A_65 : vector<16xi32>
        %and3A_67 = arith.constant 16383 : i32
        %and3A_68 = vector.broadcast %and3A_67 : i32 to vector<16xi32>
        %and3A_69 = arith.andi %get3A_63, %and3A_68 : vector<16xi32>
        %gather3A_70 = tpu.vector_load_idx %arg6[%shift_right_logical3A_66] : memref<10000xf32, #tpu.memory_space<vmem>>[vector<16xi32>], vector<16xf32>,
        tpu.vector_store_idx %arg10[%and3A_69], %gather3A_70 {add = true} : memref<10016xf32, #tpu.memory_space<vmem>>[vector<16xi32>], vector<16xf32>,
        %gather3A_71 = tpu.vector_load_idx %arg7[%shift_right_logical3A_66] : memref<10000xf32, #tpu.memory_space<vmem>>[vector<16xi32>], vector<16xf32>,
        tpu.vector_store_idx %arg11[%and3A_69], %gather3A_71 {add = true} : memref<10016xf32, #tpu.memory_space<vmem>>[vector<16xi32>], vector<16xf32>,
        %gather3A_72 = tpu.vector_load_idx %arg8[%shift_right_logical3A_66] : memref<10000xf32, #tpu.memory_space<vmem>>[vector<16xi32>], vector<16xf32>,
        tpu.vector_store_idx %arg12[%and3A_69], %gather3A_72 {add = true} : memref<10016xf32, #tpu.memory_space<vmem>>[vector<16xi32>], vector<16xf32>,
        %gather3A_73 = tpu.vector_load_idx %arg9[%shift_right_logical3A_66] : memref<10000xf32, #tpu.memory_space<vmem>>[vector<16xi32>], vector<16xf32>,
        tpu.vector_store_idx %arg13[%and3A_69], %gather3A_73 {add = true} : memref<10016xf32, #tpu.memory_space<vmem>>[vector<16xi32>], vector<16xf32>,
        %add3A_74 = arith.constant 32 : i32
        %add3A_75 = arith.addi %mul3A_49, %add3A_74 : i32
        %get3A_76 = arith.index_cast %add3A_75 : i32 to index
        %get3A_77 = tpu.vector_load %arg14[%get3A_76] {strides = array<i32>} : memref<4096xi32, #tpu.memory_space<vmem>>, vector<16xi32>,
        %shift_right_logical3A_78 = arith.constant 14 : i32
        %shift_right_logical3A_79 = vector.broadcast %shift_right_logical3A_78 : i32 to vector<16xi32>
        %shift_right_logical3A_80 = arith.shrui %get3A_77, %shift_right_logical3A_79 : vector<16xi32>
        %and3A_81 = arith.constant 16383 : i32
        %and3A_82 = vector.broadcast %and3A_81 : i32 to vector<16xi32>
        %and3A_83 = arith.andi %get3A_77, %and3A_82 : vector<16xi32>
        %gather3A_84 = tpu.vector_load_idx %arg6[%shift_right_logical3A_80] : memref<10000xf32, #tpu.memory_space<vmem>>[vector<16xi32>], vector<16xf32>,
        tpu.vector_store_idx %arg10[%and3A_83], %gather3A_84 {add = true} : memref<10016xf32, #tpu.memory_space<vmem>>[vector<16xi32>], vector<16xf32>,
        %gather3A_85 = tpu.vector_load_idx %arg7[%shift_right_logical3A_80] : memref<10000xf32, #tpu.memory_space<vmem>>[vector<16xi32>], vector<16xf32>,
        tpu.vector_store_idx %arg11[%and3A_83], %gather3A_85 {add = true} : memref<10016xf32, #tpu.memory_space<vmem>>[vector<16xi32>], vector<16xf32>,
        %gather3A_86 = tpu.vector_load_idx %arg8[%shift_right_logical3A_80] : memref<10000xf32, #tpu.memory_space<vmem>>[vector<16xi32>], vector<16xf32>,
        tpu.vector_store_idx %arg12[%and3A_83], %gather3A_86 {add = true} : memref<10016xf32, #tpu.memory_space<vmem>>[vector<16xi32>], vector<16xf32>,
        %gather3A_87 = tpu.vector_load_idx %arg9[%shift_right_logical3A_80] : memref<10000xf32, #tpu.memory_space<vmem>>[vector<16xi32>], vector<16xf32>,
        tpu.vector_store_idx %arg13[%and3A_83], %gather3A_87 {add = true} : memref<10016xf32, #tpu.memory_space<vmem>>[vector<16xi32>], vector<16xf32>,
        %add3A_88 = arith.constant 48 : i32
        %add3A_89 = arith.addi %mul3A_49, %add3A_88 : i32
        %get3A_90 = arith.index_cast %add3A_89 : i32 to index
        %get3A_91 = tpu.vector_load %arg14[%get3A_90] {strides = array<i32>} : memref<4096xi32, #tpu.memory_space<vmem>>, vector<16xi32>,
        %shift_right_logical3A_92 = arith.constant 14 : i32
        %shift_right_logical3A_93 = vector.broadcast %shift_right_logical3A_92 : i32 to vector<16xi32>
        %shift_right_logical3A_94 = arith.shrui %get3A_91, %shift_right_logical3A_93 : vector<16xi32>
        %and3A_95 = arith.constant 16383 : i32
        %and3A_96 = vector.broadcast %and3A_95 : i32 to vector<16xi32>
        %and3A_97 = arith.andi %get3A_91, %and3A_96 : vector<16xi32>
        %gather3A_98 = tpu.vector_load_idx %arg6[%shift_right_logical3A_94] : memref<10000xf32, #tpu.memory_space<vmem>>[vector<16xi32>], vector<16xf32>,
        tpu.vector_store_idx %arg10[%and3A_97], %gather3A_98 {add = true} : memref<10016xf32, #tpu.memory_space<vmem>>[vector<16xi32>], vector<16xf32>,
        %gather3A_99 = tpu.vector_load_idx %arg7[%shift_right_logical3A_94] : memref<10000xf32, #tpu.memory_space<vmem>>[vector<16xi32>], vector<16xf32>,
        tpu.vector_store_idx %arg11[%and3A_97], %gather3A_99 {add = true} : memref<10016xf32, #tpu.memory_space<vmem>>[vector<16xi32>], vector<16xf32>,
        %gather3A_100 = tpu.vector_load_idx %arg8[%shift_right_logical3A_94] : memref<10000xf32, #tpu.memory_space<vmem>>[vector<16xi32>], vector<16xf32>,
        tpu.vector_store_idx %arg12[%and3A_97], %gather3A_100 {add = true} : memref<10016xf32, #tpu.memory_space<vmem>>[vector<16xi32>], vector<16xf32>,
        %gather3A_101 = tpu.vector_load_idx %arg9[%shift_right_logical3A_94] : memref<10000xf32, #tpu.memory_space<vmem>>[vector<16xi32>], vector<16xf32>,
        tpu.vector_store_idx %arg13[%and3A_97], %gather3A_101 {add = true} : memref<10016xf32, #tpu.memory_space<vmem>>[vector<16xi32>], vector<16xf32>,
        %add3A_102 = arith.constant 64 : i32
        %add3A_103 = arith.addi %mul3A_49, %add3A_102 : i32
        %get3A_104 = arith.index_cast %add3A_103 : i32 to index
        %get3A_105 = tpu.vector_load %arg14[%get3A_104] {strides = array<i32>} : memref<4096xi32, #tpu.memory_space<vmem>>, vector<16xi32>,
        %shift_right_logical3A_106 = arith.constant 14 : i32
        %shift_right_logical3A_107 = vector.broadcast %shift_right_logical3A_106 : i32 to vector<16xi32>
        %shift_right_logical3A_108 = arith.shrui %get3A_105, %shift_right_logical3A_107 : vector<16xi32>
        %and3A_109 = arith.constant 16383 : i32
        %and3A_110 = vector.broadcast %and3A_109 : i32 to vector<16xi32>
        %and3A_111 = arith.andi %get3A_105, %and3A_110 : vector<16xi32>
        %gather3A_112 = tpu.vector_load_idx %arg6[%shift_right_logical3A_108] : memref<10000xf32, #tpu.memory_space<vmem>>[vector<16xi32>], vector<16xf32>,
        tpu.vector_store_idx %arg10[%and3A_111], %gather3A_112 {add = true} : memref<10016xf32, #tpu.memory_space<vmem>>[vector<16xi32>], vector<16xf32>,
        %gather3A_113 = tpu.vector_load_idx %arg7[%shift_right_logical3A_108] : memref<10000xf32, #tpu.memory_space<vmem>>[vector<16xi32>], vector<16xf32>,
        tpu.vector_store_idx %arg11[%and3A_111], %gather3A_113 {add = true} : memref<10016xf32, #tpu.memory_space<vmem>>[vector<16xi32>], vector<16xf32>,
        %gather3A_114 = tpu.vector_load_idx %arg8[%shift_right_logical3A_108] : memref<10000xf32, #tpu.memory_space<vmem>>[vector<16xi32>], vector<16xf32>,
        tpu.vector_store_idx %arg12[%and3A_111], %gather3A_114 {add = true} : memref<10016xf32, #tpu.memory_space<vmem>>[vector<16xi32>], vector<16xf32>,
        %gather3A_115 = tpu.vector_load_idx %arg9[%shift_right_logical3A_108] : memref<10000xf32, #tpu.memory_space<vmem>>[vector<16xi32>], vector<16xf32>,
        tpu.vector_store_idx %arg13[%and3A_111], %gather3A_115 {add = true} : memref<10016xf32, #tpu.memory_space<vmem>>[vector<16xi32>], vector<16xf32>,
        %add3A_116 = arith.constant 80 : i32
        %add3A_117 = arith.addi %mul3A_49, %add3A_116 : i32
        %get3A_118 = arith.index_cast %add3A_117 : i32 to index
        %get3A_119 = tpu.vector_load %arg14[%get3A_118] {strides = array<i32>} : memref<4096xi32, #tpu.memory_space<vmem>>, vector<16xi32>,
        %shift_right_logical3A_120 = arith.constant 14 : i32
        %shift_right_logical3A_121 = vector.broadcast %shift_right_logical3A_120 : i32 to vector<16xi32>
        %shift_right_logical3A_122 = arith.shrui %get3A_119, %shift_right_logical3A_121 : vector<16xi32>
        %and3A_123 = arith.constant 16383 : i32
        %and3A_124 = vector.broadcast %and3A_123 : i32 to vector<16xi32>
        %and3A_125 = arith.andi %get3A_119, %and3A_124 : vector<16xi32>
        %gather3A_126 = tpu.vector_load_idx %arg6[%shift_right_logical3A_122] : memref<10000xf32, #tpu.memory_space<vmem>>[vector<16xi32>], vector<16xf32>,
        tpu.vector_store_idx %arg10[%and3A_125], %gather3A_126 {add = true} : memref<10016xf32, #tpu.memory_space<vmem>>[vector<16xi32>], vector<16xf32>,
        %gather3A_127 = tpu.vector_load_idx %arg7[%shift_right_logical3A_122] : memref<10000xf32, #tpu.memory_space<vmem>>[vector<16xi32>], vector<16xf32>,
        tpu.vector_store_idx %arg11[%and3A_125], %gather3A_127 {add = true} : memref<10016xf32, #tpu.memory_space<vmem>>[vector<16xi32>], vector<16xf32>,
        %gather3A_128 = tpu.vector_load_idx %arg8[%shift_right_logical3A_122] : memref<10000xf32, #tpu.memory_space<vmem>>[vector<16xi32>], vector<16xf32>,
        tpu.vector_store_idx %arg12[%and3A_125], %gather3A_128 {add = true} : memref<10016xf32, #tpu.memory_space<vmem>>[vector<16xi32>], vector<16xf32>,
        %gather3A_129 = tpu.vector_load_idx %arg9[%shift_right_logical3A_122] : memref<10000xf32, #tpu.memory_space<vmem>>[vector<16xi32>], vector<16xf32>,
        tpu.vector_store_idx %arg13[%and3A_125], %gather3A_129 {add = true} : memref<10016xf32, #tpu.memory_space<vmem>>[vector<16xi32>], vector<16xf32>,
        %add3A_130 = arith.constant 96 : i32
        %add3A_131 = arith.addi %mul3A_49, %add3A_130 : i32
        %get3A_132 = arith.index_cast %add3A_131 : i32 to index
        %get3A_133 = tpu.vector_load %arg14[%get3A_132] {strides = array<i32>} : memref<4096xi32, #tpu.memory_space<vmem>>, vector<16xi32>,
        %shift_right_logical3A_134 = arith.constant 14 : i32
        %shift_right_logical3A_135 = vector.broadcast %shift_right_logical3A_134 : i32 to vector<16xi32>
        %shift_right_logical3A_136 = arith.shrui %get3A_133, %shift_right_logical3A_135 : vector<16xi32>
        %and3A_137 = arith.constant 16383 : i32
        %and3A_138 = vector.broadcast %and3A_137 : i32 to vector<16xi32>
        %and3A_139 = arith.andi %get3A_133, %and3A_138 : vector<16xi32>
        %gather3A_140 = tpu.vector_load_idx %arg6[%shift_right_logical3A_136] : memref<10000xf32, #tpu.memory_space<vmem>>[vector<16xi32>], vector<16xf32>,
        tpu.vector_store_idx %arg10[%and3A_139], %gather3A_140 {add = true} : memref<10016xf32, #tpu.memory_space<vmem>>[vector<16xi32>], vector<16xf32>,
        %gather3A_141 = tpu.vector_load_idx %arg7[%shift_right_logical3A_136] : memref<10000xf32, #tpu.memory_space<vmem>>[vector<16xi32>], vector<16xf32>,
        tpu.vector_store_idx %arg11[%and3A_139], %gather3A_141 {add = true} : memref<10016xf32, #tpu.memory_space<vmem>>[vector<16xi32>], vector<16xf32>,
        %gather3A_142 = tpu.vector_load_idx %arg8[%shift_right_logical3A_136] : memref<10000xf32, #tpu.memory_space<vmem>>[vector<16xi32>], vector<16xf32>,
        tpu.vector_store_idx %arg12[%and3A_139], %gather3A_142 {add = true} : memref<10016xf32, #tpu.memory_space<vmem>>[vector<16xi32>], vector<16xf32>,
        %gather3A_143 = tpu.vector_load_idx %arg9[%shift_right_logical3A_136] : memref<10000xf32, #tpu.memory_space<vmem>>[vector<16xi32>], vector<16xf32>,
        tpu.vector_store_idx %arg13[%and3A_139], %gather3A_143 {add = true} : memref<10016xf32, #tpu.memory_space<vmem>>[vector<16xi32>], vector<16xf32>,
        %add3A_144 = arith.constant 112 : i32
        %add3A_145 = arith.addi %mul3A_49, %add3A_144 : i32
        %get3A_146 = arith.index_cast %add3A_145 : i32 to index
        %get3A_147 = tpu.vector_load %arg14[%get3A_146] {strides = array<i32>} : memref<4096xi32, #tpu.memory_space<vmem>>, vector<16xi32>,
        %shift_right_logical3A_148 = arith.constant 14 : i32
        %shift_right_logical3A_149 = vector.broadcast %shift_right_logical3A_148 : i32 to vector<16xi32>
        %shift_right_logical3A_150 = arith.shrui %get3A_147, %shift_right_logical3A_149 : vector<16xi32>
        %and3A_151 = arith.constant 16383 : i32
        %and3A_152 = vector.broadcast %and3A_151 : i32 to vector<16xi32>
        %and3A_153 = arith.andi %get3A_147, %and3A_152 : vector<16xi32>
        %gather3A_154 = tpu.vector_load_idx %arg6[%shift_right_logical3A_150] : memref<10000xf32, #tpu.memory_space<vmem>>[vector<16xi32>], vector<16xf32>,
        tpu.vector_store_idx %arg10[%and3A_153], %gather3A_154 {add = true} : memref<10016xf32, #tpu.memory_space<vmem>>[vector<16xi32>], vector<16xf32>,
        %gather3A_155 = tpu.vector_load_idx %arg7[%shift_right_logical3A_150] : memref<10000xf32, #tpu.memory_space<vmem>>[vector<16xi32>], vector<16xf32>,
        tpu.vector_store_idx %arg11[%and3A_153], %gather3A_155 {add = true} : memref<10016xf32, #tpu.memory_space<vmem>>[vector<16xi32>], vector<16xf32>,
        %gather3A_156 = tpu.vector_load_idx %arg8[%shift_right_logical3A_150] : memref<10000xf32, #tpu.memory_space<vmem>>[vector<16xi32>], vector<16xf32>,
        tpu.vector_store_idx %arg12[%and3A_153], %gather3A_156 {add = true} : memref<10016xf32, #tpu.memory_space<vmem>>[vector<16xi32>], vector<16xf32>,
        %gather3A_157 = tpu.vector_load_idx %arg9[%shift_right_logical3A_150] : memref<10000xf32, #tpu.memory_space<vmem>>[vector<16xi32>], vector<16xf32>,
        tpu.vector_store_idx %arg13[%and3A_153], %gather3A_157 {add = true} : memref<10016xf32, #tpu.memory_space<vmem>>[vector<16xi32>], vector<16xf32>,
      }
      %scan3A_46 = arith.constant 32 : i32
    }
    %scan3A_21 = arith.constant 79 : i32
    %mul3A_22 = arith.constant 4 : i32
    %mul3A_23 = arith.muli %add3A, %mul3A_22 : i32
    %add3A_24 = arith.constant 0 : i32
    %add3A_25 = arith.addi %mul3A_23, %add3A_24 : i32
    "tpu.region"() ({
      %run_scoped3A = tpu.sem_alloc : memref<!tpu.dma_semaphore, #tpu.memory_space<semaphore_mem>>
      %dma_start3A = arith.constant 0 : i32
      %dma_start3A_38 = tpu.memref_slice %arg5[%add3A_25, %dma_start3A] : memref<128x10016xf32, #tpu.memory_space<hbm>> -> memref<1x10016xf32, #tpu.memory_space<hbm>>
      %dma_start3A_39 = tpu.memref_squeeze %dma_start3A_38 : memref<1x10016xf32, #tpu.memory_space<hbm>> -> memref<10016xf32, #tpu.memory_space<hbm>>
      %dma_start3A_40 = arith.constant 0 : i32
      %dma_start3A_41 = tpu.memref_slice %arg5[%add3A_25, %dma_start3A_40] : memref<128x10016xf32, #tpu.memory_space<hbm>> -> memref<1x10016xf32, #tpu.memory_space<hbm>>
      %dma_start3A_42 = tpu.memref_squeeze %dma_start3A_41 : memref<1x10016xf32, #tpu.memory_space<hbm>> -> memref<10016xf32, #tpu.memory_space<hbm>>
      tpu.enqueue_dma source(%arg10 : memref<10016xf32, #tpu.memory_space<vmem>>) target(%dma_start3A_42 : memref<10016xf32, #tpu.memory_space<hbm>>) target_semaphore(%run_scoped3A : memref<!tpu.dma_semaphore, #tpu.memory_space<semaphore_mem>>)
      %dma_wait3A = arith.constant 0 : i32
      %dma_wait3A_43 = tpu.memref_slice %arg5[%add3A_25, %dma_wait3A] : memref<128x10016xf32, #tpu.memory_space<hbm>> -> memref<1x10016xf32, #tpu.memory_space<hbm>>
      %dma_wait3A_44 = tpu.memref_squeeze %dma_wait3A_43 : memref<1x10016xf32, #tpu.memory_space<hbm>> -> memref<10016xf32, #tpu.memory_space<hbm>>
      %dma_wait3A_45 = arith.constant 0 : i32
      %dma_wait3A_46 = tpu.memref_slice %arg5[%add3A_25, %dma_wait3A_45] : memref<128x10016xf32, #tpu.memory_space<hbm>> -> memref<1x10016xf32, #tpu.memory_space<hbm>>
      %dma_wait3A_47 = tpu.memref_squeeze %dma_wait3A_46 : memref<1x10016xf32, #tpu.memory_space<hbm>> -> memref<10016xf32, #tpu.memory_space<hbm>>
      tpu.wait_dma2 semaphore(%run_scoped3A : memref<!tpu.dma_semaphore, #tpu.memory_space<semaphore_mem>>) src(%arg10 : memref<10016xf32, #tpu.memory_space<vmem>>) dst(%dma_wait3A_47 : memref<10016xf32, #tpu.memory_space<hbm>>)
      tpu.yield
    }) : () -> ()
    %mul3A_26 = arith.constant 4 : i32
    %mul3A_27 = arith.muli %add3A, %mul3A_26 : i32
    %add3A_28 = arith.constant 1 : i32
    %add3A_29 = arith.addi %mul3A_27, %add3A_28 : i32
    "tpu.region"() ({
      %run_scoped3A = tpu.sem_alloc : memref<!tpu.dma_semaphore, #tpu.memory_space<semaphore_mem>>
      %dma_start3A = arith.constant 0 : i32
      %dma_start3A_38 = tpu.memref_slice %arg5[%add3A_29, %dma_start3A] : memref<128x10016xf32, #tpu.memory_space<hbm>> -> memref<1x10016xf32, #tpu.memory_space<hbm>>
      %dma_start3A_39 = tpu.memref_squeeze %dma_start3A_38 : memref<1x10016xf32, #tpu.memory_space<hbm>> -> memref<10016xf32, #tpu.memory_space<hbm>>
      %dma_start3A_40 = arith.constant 0 : i32
      %dma_start3A_41 = tpu.memref_slice %arg5[%add3A_29, %dma_start3A_40] : memref<128x10016xf32, #tpu.memory_space<hbm>> -> memref<1x10016xf32, #tpu.memory_space<hbm>>
      %dma_start3A_42 = tpu.memref_squeeze %dma_start3A_41 : memref<1x10016xf32, #tpu.memory_space<hbm>> -> memref<10016xf32, #tpu.memory_space<hbm>>
      tpu.enqueue_dma source(%arg11 : memref<10016xf32, #tpu.memory_space<vmem>>) target(%dma_start3A_42 : memref<10016xf32, #tpu.memory_space<hbm>>) target_semaphore(%run_scoped3A : memref<!tpu.dma_semaphore, #tpu.memory_space<semaphore_mem>>)
      %dma_wait3A = arith.constant 0 : i32
      %dma_wait3A_43 = tpu.memref_slice %arg5[%add3A_29, %dma_wait3A] : memref<128x10016xf32, #tpu.memory_space<hbm>> -> memref<1x10016xf32, #tpu.memory_space<hbm>>
      %dma_wait3A_44 = tpu.memref_squeeze %dma_wait3A_43 : memref<1x10016xf32, #tpu.memory_space<hbm>> -> memref<10016xf32, #tpu.memory_space<hbm>>
      %dma_wait3A_45 = arith.constant 0 : i32
      %dma_wait3A_46 = tpu.memref_slice %arg5[%add3A_29, %dma_wait3A_45] : memref<128x10016xf32, #tpu.memory_space<hbm>> -> memref<1x10016xf32, #tpu.memory_space<hbm>>
      %dma_wait3A_47 = tpu.memref_squeeze %dma_wait3A_46 : memref<1x10016xf32, #tpu.memory_space<hbm>> -> memref<10016xf32, #tpu.memory_space<hbm>>
      tpu.wait_dma2 semaphore(%run_scoped3A : memref<!tpu.dma_semaphore, #tpu.memory_space<semaphore_mem>>) src(%arg11 : memref<10016xf32, #tpu.memory_space<vmem>>) dst(%dma_wait3A_47 : memref<10016xf32, #tpu.memory_space<hbm>>)
      tpu.yield
    }) : () -> ()
    %mul3A_30 = arith.constant 4 : i32
    %mul3A_31 = arith.muli %add3A, %mul3A_30 : i32
    %add3A_32 = arith.constant 2 : i32
    %add3A_33 = arith.addi %mul3A_31, %add3A_32 : i32
    "tpu.region"() ({
      %run_scoped3A = tpu.sem_alloc : memref<!tpu.dma_semaphore, #tpu.memory_space<semaphore_mem>>
      %dma_start3A = arith.constant 0 : i32
      %dma_start3A_38 = tpu.memref_slice %arg5[%add3A_33, %dma_start3A] : memref<128x10016xf32, #tpu.memory_space<hbm>> -> memref<1x10016xf32, #tpu.memory_space<hbm>>
      %dma_start3A_39 = tpu.memref_squeeze %dma_start3A_38 : memref<1x10016xf32, #tpu.memory_space<hbm>> -> memref<10016xf32, #tpu.memory_space<hbm>>
      %dma_start3A_40 = arith.constant 0 : i32
      %dma_start3A_41 = tpu.memref_slice %arg5[%add3A_33, %dma_start3A_40] : memref<128x10016xf32, #tpu.memory_space<hbm>> -> memref<1x10016xf32, #tpu.memory_space<hbm>>
      %dma_start3A_42 = tpu.memref_squeeze %dma_start3A_41 : memref<1x10016xf32, #tpu.memory_space<hbm>> -> memref<10016xf32, #tpu.memory_space<hbm>>
      tpu.enqueue_dma source(%arg12 : memref<10016xf32, #tpu.memory_space<vmem>>) target(%dma_start3A_42 : memref<10016xf32, #tpu.memory_space<hbm>>) target_semaphore(%run_scoped3A : memref<!tpu.dma_semaphore, #tpu.memory_space<semaphore_mem>>)
      %dma_wait3A = arith.constant 0 : i32
      %dma_wait3A_43 = tpu.memref_slice %arg5[%add3A_33, %dma_wait3A] : memref<128x10016xf32, #tpu.memory_space<hbm>> -> memref<1x10016xf32, #tpu.memory_space<hbm>>
      %dma_wait3A_44 = tpu.memref_squeeze %dma_wait3A_43 : memref<1x10016xf32, #tpu.memory_space<hbm>> -> memref<10016xf32, #tpu.memory_space<hbm>>
      %dma_wait3A_45 = arith.constant 0 : i32
      %dma_wait3A_46 = tpu.memref_slice %arg5[%add3A_33, %dma_wait3A_45] : memref<128x10016xf32, #tpu.memory_space<hbm>> -> memref<1x10016xf32, #tpu.memory_space<hbm>>
      %dma_wait3A_47 = tpu.memref_squeeze %dma_wait3A_46 : memref<1x10016xf32, #tpu.memory_space<hbm>> -> memref<10016xf32, #tpu.memory_space<hbm>>
      tpu.wait_dma2 semaphore(%run_scoped3A : memref<!tpu.dma_semaphore, #tpu.memory_space<semaphore_mem>>) src(%arg12 : memref<10016xf32, #tpu.memory_space<vmem>>) dst(%dma_wait3A_47 : memref<10016xf32, #tpu.memory_space<hbm>>)
      tpu.yield
    }) : () -> ()
    %mul3A_34 = arith.constant 4 : i32
    %mul3A_35 = arith.muli %add3A, %mul3A_34 : i32
    %add3A_36 = arith.constant 3 : i32
    %add3A_37 = arith.addi %mul3A_35, %add3A_36 : i32
    "tpu.region"() ({
      %run_scoped3A = tpu.sem_alloc : memref<!tpu.dma_semaphore, #tpu.memory_space<semaphore_mem>>
      %dma_start3A = arith.constant 0 : i32
      %dma_start3A_38 = tpu.memref_slice %arg5[%add3A_37, %dma_start3A] : memref<128x10016xf32, #tpu.memory_space<hbm>> -> memref<1x10016xf32, #tpu.memory_space<hbm>>
      %dma_start3A_39 = tpu.memref_squeeze %dma_start3A_38 : memref<1x10016xf32, #tpu.memory_space<hbm>> -> memref<10016xf32, #tpu.memory_space<hbm>>
      %dma_start3A_40 = arith.constant 0 : i32
      %dma_start3A_41 = tpu.memref_slice %arg5[%add3A_37, %dma_start3A_40] : memref<128x10016xf32, #tpu.memory_space<hbm>> -> memref<1x10016xf32, #tpu.memory_space<hbm>>
      %dma_start3A_42 = tpu.memref_squeeze %dma_start3A_41 : memref<1x10016xf32, #tpu.memory_space<hbm>> -> memref<10016xf32, #tpu.memory_space<hbm>>
      tpu.enqueue_dma source(%arg13 : memref<10016xf32, #tpu.memory_space<vmem>>) target(%dma_start3A_42 : memref<10016xf32, #tpu.memory_space<hbm>>) target_semaphore(%run_scoped3A : memref<!tpu.dma_semaphore, #tpu.memory_space<semaphore_mem>>)
      %dma_wait3A = arith.constant 0 : i32
      %dma_wait3A_43 = tpu.memref_slice %arg5[%add3A_37, %dma_wait3A] : memref<128x10016xf32, #tpu.memory_space<hbm>> -> memref<1x10016xf32, #tpu.memory_space<hbm>>
      %dma_wait3A_44 = tpu.memref_squeeze %dma_wait3A_43 : memref<1x10016xf32, #tpu.memory_space<hbm>> -> memref<10016xf32, #tpu.memory_space<hbm>>
      %dma_wait3A_45 = arith.constant 0 : i32
      %dma_wait3A_46 = tpu.memref_slice %arg5[%add3A_37, %dma_wait3A_45] : memref<128x10016xf32, #tpu.memory_space<hbm>> -> memref<1x10016xf32, #tpu.memory_space<hbm>>
      %dma_wait3A_47 = tpu.memref_squeeze %dma_wait3A_46 : memref<1x10016xf32, #tpu.memory_space<hbm>> -> memref<10016xf32, #tpu.memory_space<hbm>>
      tpu.wait_dma2 semaphore(%run_scoped3A : memref<!tpu.dma_semaphore, #tpu.memory_space<semaphore_mem>>) src(%arg13 : memref<10016xf32, #tpu.memory_space<vmem>>) dst(%dma_wait3A_47 : memref<10016xf32, #tpu.memory_space<hbm>>)
      tpu.yield
    }) : () -> ()
    return
  }
}

module attributes {stable_mosaic.version = 14 : i64} {
  func.func @tc_h2_dinv(%arg0: memref<10000x128xf32, #tpu.memory_space<vmem>>, %arg1: memref<128x128xf32, #tpu.memory_space<vmem>>, %arg2: memref<32x10016xf32, #tpu.memory_space<vmem>>, %arg3: memref<10000x128xf32, #tpu.memory_space<vmem>>, %arg4: memref<128x10000xf32, #tpu.memory_space<vmem>>, %arg5: memref<1x10000xf32, #tpu.memory_space<vmem>>, %arg6: memref<10000x1xf32, #tpu.memory_space<vmem>>) attributes {dimension_semantics = [], scalar_prefetch = 0 : i64, scratch_operands = 0 : i64, tpu.core_type = #tpu.core_type<tc>} {
    %get3A = arith.constant 0 : index
    %get3A_0 = arith.constant 0 : index
    %get3A_1 = vector.load %arg2[%get3A, %get3A_0] : memref<32x10016xf32, #tpu.memory_space<vmem>>, vector<32x10016xf32>
    %reduce_sum3A = arith.constant dense<0.000000e+00> : vector<10016xf32>
    %reduce_sum3A_2 = vector.multi_reduction <add>, %get3A_1, %reduce_sum3A [0] : vector<32x10016xf32> to vector<10016xf32>
    %broadcast_in_dim3A = vector.shape_cast %reduce_sum3A_2 : vector<10016xf32> to vector<1x10016xf32>
    %slice3A = vector.extract_strided_slice %broadcast_in_dim3A {offsets = [0, 0], sizes = [1, 10000], strides = [1, 1]} : vector<1x10016xf32> to vector<1x10000xf32>
    %add3A = arith.constant 1.000000e+00 : f32
    %add3A_3 = vector.broadcast %add3A : f32 to vector<1x10000xf32>
    %add3A_4 = arith.addf %slice3A, %add3A_3 : vector<1x10000xf32>
    %rsqrt3A = math.rsqrt %add3A_4 : vector<1x10000xf32>
    %transpose3A = tpu.transpose %rsqrt3A, [1, 0] : vector<1x10000xf32> -> vector<10000x1xf32>
    %get3A_5 = arith.constant 0 : index
    %get3A_6 = arith.constant 0 : index
    %get3A_7 = vector.load %arg0[%get3A_5, %get3A_6] : memref<10000x128xf32, #tpu.memory_space<vmem>>, vector<10000x128xf32>
    %get3A_8 = arith.constant 0 : index
    %get3A_9 = arith.constant 0 : index
    %get3A_10 = vector.load %arg1[%get3A_8, %get3A_9] : memref<128x128xf32, #tpu.memory_space<vmem>>, vector<128x128xf32>
    %dot_general3A = arith.constant dense<0.000000e+00> : vector<10000x128xf32>
    %dot_general3A_11 = tpu.matmul %get3A_7, %get3A_10, %dot_general3A {dimension_numbers = #tpu.dot_dimension_numbers<[1], [0], [0], [1], [0, 0, 1, 1], [], []>, transpose_lhs_hint = false} : vector<10000x128xf32>, vector<128x128xf32>, vector<10000x128xf32> -> vector<10000x128xf32>
    %mul3A = vector.broadcast %transpose3A : vector<10000x1xf32> to vector<10000x128xf32>
    %mul3A_12 = arith.mulf %dot_general3A_11, %mul3A : vector<10000x128xf32>
    %swap3A = arith.constant 0 : index
    %swap3A_13 = arith.constant 0 : index
    %swap3A_14 = vector.load %arg3[%swap3A, %swap3A_13] : memref<10000x128xf32, #tpu.memory_space<vmem>>, vector<10000x128xf32>
    tpu.vector_store %arg3[%swap3A, %swap3A_13], %mul3A_12 {strides = array<i32>} : memref<10000x128xf32, #tpu.memory_space<vmem>>, vector<10000x128xf32>,
    %transpose3A_15 = tpu.transpose %mul3A_12, [1, 0] : vector<10000x128xf32> -> vector<128x10000xf32>
    %swap3A_16 = arith.constant 0 : index
    %swap3A_17 = arith.constant 0 : index
    %swap3A_18 = vector.load %arg4[%swap3A_16, %swap3A_17] : memref<128x10000xf32, #tpu.memory_space<vmem>>, vector<128x10000xf32>
    tpu.vector_store %arg4[%swap3A_16, %swap3A_17], %transpose3A_15 {strides = array<i32>} : memref<128x10000xf32, #tpu.memory_space<vmem>>, vector<128x10000xf32>,
    %swap3A_19 = arith.constant 0 : index
    %swap3A_20 = arith.constant 0 : index
    %swap3A_21 = vector.load %arg5[%swap3A_19, %swap3A_20] : memref<1x10000xf32, #tpu.memory_space<vmem>>, vector<1x10000xf32>
    tpu.vector_store %arg5[%swap3A_19, %swap3A_20], %rsqrt3A {strides = array<i32>} : memref<1x10000xf32, #tpu.memory_space<vmem>>, vector<1x10000xf32>,
    %swap3A_22 = arith.constant 0 : index
    %swap3A_23 = arith.constant 0 : index
    %swap3A_24 = vector.load %arg6[%swap3A_22, %swap3A_23] : memref<10000x1xf32, #tpu.memory_space<vmem>>, vector<10000x1xf32>
    tpu.vector_store %arg6[%swap3A_22, %swap3A_23], %transpose3A {strides = array<i32>} : memref<10000x1xf32, #tpu.memory_space<vmem>>, vector<10000x1xf32>,
    return
  }
}

module attributes {stable_mosaic.version = 14 : i64} {
  func.func @tc_layer1(%arg0: memref<10000x128xf32, #tpu.memory_space<vmem>>, %arg1: memref<128x10016xf32, #tpu.memory_space<vmem>>, %arg2: memref<10000x1xf32, #tpu.memory_space<vmem>>, %arg3: memref<128x128xf32, #tpu.memory_space<vmem>>, %arg4: memref<1x128xf32, #tpu.memory_space<vmem>>, %arg5: memref<10000x128xf32, #tpu.memory_space<vmem>>, %arg6: memref<128x10000xf32, #tpu.memory_space<vmem>>) attributes {dimension_semantics = [], scalar_prefetch = 0 : i64, scratch_operands = 0 : i64, tpu.core_type = #tpu.core_type<tc>} {
    %get3A = arith.constant 0 : index
    %get3A_0 = arith.constant 0 : index
    %get3A_1 = vector.load %arg2[%get3A, %get3A_0] : memref<10000x1xf32, #tpu.memory_space<vmem>>, vector<10000x1xf32>
    %get3A_2 = arith.constant 0 : index
    %get3A_3 = arith.constant 0 : index
    %get3A_4 = vector.load %arg1[%get3A_2, %get3A_3] : memref<128x10016xf32, #tpu.memory_space<vmem>>, vector<128x10000xf32>
    %transpose3A = tpu.transpose %get3A_4, [1, 0] : vector<128x10000xf32> -> vector<10000x128xf32>
    %get3A_5 = arith.constant 0 : index
    %get3A_6 = arith.constant 0 : index
    %get3A_7 = vector.load %arg0[%get3A_5, %get3A_6] : memref<10000x128xf32, #tpu.memory_space<vmem>>, vector<10000x128xf32>
    %add3A = arith.addf %transpose3A, %get3A_7 : vector<10000x128xf32>
    %mul3A = vector.broadcast %get3A_1 : vector<10000x1xf32> to vector<10000x128xf32>
    %mul3A_8 = arith.mulf %add3A, %mul3A : vector<10000x128xf32>
    %get3A_9 = arith.constant 0 : index
    %get3A_10 = arith.constant 0 : index
    %get3A_11 = vector.load %arg4[%get3A_9, %get3A_10] : memref<1x128xf32, #tpu.memory_space<vmem>>, vector<1x128xf32>
    %add3A_12 = vector.broadcast %get3A_11 : vector<1x128xf32> to vector<10000x128xf32>
    %add3A_13 = arith.addf %mul3A_8, %add3A_12 : vector<10000x128xf32>
    %max3A = arith.constant 0.000000e+00 : f32
    %max3A_14 = vector.broadcast %max3A : f32 to vector<10000x128xf32>
    %max3A_15 = arith.maximumf %add3A_13, %max3A_14 : vector<10000x128xf32>
    %get3A_16 = arith.constant 0 : index
    %get3A_17 = arith.constant 0 : index
    %get3A_18 = vector.load %arg3[%get3A_16, %get3A_17] : memref<128x128xf32, #tpu.memory_space<vmem>>, vector<128x128xf32>
    %dot_general3A = arith.constant dense<0.000000e+00> : vector<10000x128xf32>
    %dot_general3A_19 = tpu.matmul %max3A_15, %get3A_18, %dot_general3A {dimension_numbers = #tpu.dot_dimension_numbers<[1], [0], [0], [1], [0, 0, 1, 1], [], []>, transpose_lhs_hint = false} : vector<10000x128xf32>, vector<128x128xf32>, vector<10000x128xf32> -> vector<10000x128xf32>
    %mul3A_20 = vector.broadcast %get3A_1 : vector<10000x1xf32> to vector<10000x128xf32>
    %mul3A_21 = arith.mulf %dot_general3A_19, %mul3A_20 : vector<10000x128xf32>
    %swap3A = arith.constant 0 : index
    %swap3A_22 = arith.constant 0 : index
    %swap3A_23 = vector.load %arg5[%swap3A, %swap3A_22] : memref<10000x128xf32, #tpu.memory_space<vmem>>, vector<10000x128xf32>
    tpu.vector_store %arg5[%swap3A, %swap3A_22], %mul3A_21 {strides = array<i32>} : memref<10000x128xf32, #tpu.memory_space<vmem>>, vector<10000x128xf32>,
    %transpose3A_24 = tpu.transpose %mul3A_21, [1, 0] : vector<10000x128xf32> -> vector<128x10000xf32>
    %swap3A_25 = arith.constant 0 : index
    %swap3A_26 = arith.constant 0 : index
    %swap3A_27 = vector.load %arg6[%swap3A_25, %swap3A_26] : memref<128x10000xf32, #tpu.memory_space<vmem>>, vector<128x10000xf32>
    tpu.vector_store %arg6[%swap3A_25, %swap3A_26], %transpose3A_24 {strides = array<i32>} : memref<128x10000xf32, #tpu.memory_space<vmem>>, vector<128x10000xf32>,
    return
  }
}

module attributes {stable_mosaic.version = 14 : i64} {
  func.func @tc_layer2_ln(%arg0: memref<10000x128xf32, #tpu.memory_space<vmem>>, %arg1: memref<128x10016xf32, #tpu.memory_space<vmem>>, %arg2: memref<10000x1xf32, #tpu.memory_space<vmem>>, %arg3: memref<1x128xf32, #tpu.memory_space<vmem>>, %arg4: memref<1x1xf32, #tpu.memory_space<vmem>>, %arg5: memref<1x1xf32, #tpu.memory_space<vmem>>, %arg6: memref<10000x128xf32, #tpu.memory_space<vmem>>) attributes {dimension_semantics = [], scalar_prefetch = 0 : i64, scratch_operands = 0 : i64, tpu.core_type = #tpu.core_type<tc>} {
    %get3A = arith.constant 0 : index
    %get3A_0 = arith.constant 0 : index
    %get3A_1 = vector.load %arg1[%get3A, %get3A_0] : memref<128x10016xf32, #tpu.memory_space<vmem>>, vector<128x10000xf32>
    %transpose3A = tpu.transpose %get3A_1, [1, 0] : vector<128x10000xf32> -> vector<10000x128xf32>
    %get3A_2 = arith.constant 0 : index
    %get3A_3 = arith.constant 0 : index
    %get3A_4 = vector.load %arg0[%get3A_2, %get3A_3] : memref<10000x128xf32, #tpu.memory_space<vmem>>, vector<10000x128xf32>
    %add3A = arith.addf %transpose3A, %get3A_4 : vector<10000x128xf32>
    %get3A_5 = arith.constant 0 : index
    %get3A_6 = arith.constant 0 : index
    %get3A_7 = vector.load %arg2[%get3A_5, %get3A_6] : memref<10000x1xf32, #tpu.memory_space<vmem>>, vector<10000x1xf32>
    %mul3A = vector.broadcast %get3A_7 : vector<10000x1xf32> to vector<10000x128xf32>
    %mul3A_8 = arith.mulf %add3A, %mul3A : vector<10000x128xf32>
    %get3A_9 = arith.constant 0 : index
    %get3A_10 = arith.constant 0 : index
    %get3A_11 = vector.load %arg3[%get3A_9, %get3A_10] : memref<1x128xf32, #tpu.memory_space<vmem>>, vector<1x128xf32>
    %add3A_12 = vector.broadcast %get3A_11 : vector<1x128xf32> to vector<10000x128xf32>
    %add3A_13 = arith.addf %mul3A_8, %add3A_12 : vector<10000x128xf32>
    %max3A = arith.constant 0.000000e+00 : f32
    %max3A_14 = vector.broadcast %max3A : f32 to vector<10000x128xf32>
    %max3A_15 = arith.maximumf %add3A_13, %max3A_14 : vector<10000x128xf32>
    %reduce_sum3A = vector.shape_cast %max3A_15 : vector<10000x128xf32> to vector<1x10000x128xf32>
    %reduce_sum3A_16 = arith.constant dense<0.000000e+00> : vector<1xf32>
    %reduce_sum3A_17 = vector.multi_reduction <add>, %reduce_sum3A, %reduce_sum3A_16 [1, 2] : vector<1x10000x128xf32> to vector<1xf32>
    %reduce_sum3A_18 = vector.shape_cast %reduce_sum3A_17 : vector<1xf32> to vector<1x1x1xf32>
    %reduce_sum3A_19 = vector.extract %reduce_sum3A_18[0, 0, 0] : f32 from vector<1x1x1xf32>
    %div3A = arith.constant 1.280000e+06 : f32
    %div3A_20 = arith.divf %reduce_sum3A_19, %div3A : f32
    %sub3A = vector.broadcast %div3A_20 : f32 to vector<10000x128xf32>
    %sub3A_21 = arith.subf %max3A_15, %sub3A : vector<10000x128xf32>
    %mul3A_22 = arith.mulf %sub3A_21, %sub3A_21 : vector<10000x128xf32>
    %reduce_sum3A_23 = vector.shape_cast %mul3A_22 : vector<10000x128xf32> to vector<1x10000x128xf32>
    %reduce_sum3A_24 = arith.constant dense<0.000000e+00> : vector<1xf32>
    %reduce_sum3A_25 = vector.multi_reduction <add>, %reduce_sum3A_23, %reduce_sum3A_24 [1, 2] : vector<1x10000x128xf32> to vector<1xf32>
    %reduce_sum3A_26 = vector.shape_cast %reduce_sum3A_25 : vector<1xf32> to vector<1x1x1xf32>
    %reduce_sum3A_27 = vector.extract %reduce_sum3A_26[0, 0, 0] : f32 from vector<1x1x1xf32>
    %div3A_28 = arith.constant 1.280000e+06 : f32
    %div3A_29 = arith.divf %reduce_sum3A_27, %div3A_28 : f32
    %add3A_30 = arith.constant 9.99999974E-6 : f32
    %add3A_31 = arith.addf %div3A_29, %add3A_30 : f32
    %sqrt3A = math.sqrt %add3A_31 : f32
    %div3A_32 = vector.broadcast %sqrt3A : f32 to vector<10000x128xf32>
    %div3A_33 = arith.divf %sub3A_21, %div3A_32 : vector<10000x128xf32>
    %get3A_34 = arith.constant 0 : index
    %get3A_35 = arith.constant 0 : index
    %get3A_36 = vector.load %arg4[%get3A_34, %get3A_35] : memref<1x1xf32, #tpu.memory_space<vmem>>, vector<1x1xf32>
    %mul3A_37 = vector.broadcast %get3A_36 : vector<1x1xf32> to vector<10000x128xf32>
    %mul3A_38 = arith.mulf %div3A_33, %mul3A_37 : vector<10000x128xf32>
    %get3A_39 = arith.constant 0 : index
    %get3A_40 = arith.constant 0 : index
    %get3A_41 = vector.load %arg5[%get3A_39, %get3A_40] : memref<1x1xf32, #tpu.memory_space<vmem>>, vector<1x1xf32>
    %add3A_42 = vector.broadcast %get3A_41 : vector<1x1xf32> to vector<10000x128xf32>
    %add3A_43 = arith.addf %mul3A_38, %add3A_42 : vector<10000x128xf32>
    %swap3A = arith.constant 0 : index
    %swap3A_44 = arith.constant 0 : index
    %swap3A_45 = vector.load %arg6[%swap3A, %swap3A_44] : memref<10000x128xf32, #tpu.memory_space<vmem>>, vector<10000x128xf32>
    tpu.vector_store %arg6[%swap3A, %swap3A_44], %add3A_43 {strides = array<i32>} : memref<10000x128xf32, #tpu.memory_space<vmem>>, vector<10000x128xf32>,
    return
  }
}

</mosaic_0001>

<sc_bundles>
// kernel: sc_degree.3.cloned.1.call-start
scs
__scs_entry_jumppad:
0x0: {  	(pc) =	sbr.rel $0x88, $3  }
0x1: {  	(tag) =	ssettag $0x0;
	lr =	simm.s32 $0x1  }
0x2: {  	[smem:$0x3F99] =	sst lr;
	_ =	strace $0xD0000000  }
0x3: {  	_ = 	snop  }
0x4: {  	_ = 	snop  }
0x5: {  	_ = 	snop  }
0x6: {  	_ = 	snop  }
0x7: {  	_ = 	snop  }
__scs_overlays_trampoline_lowered:
0x8: {  	[smem:$0x3FA8] =	sst s0  }
0x9: {  	[smem:$0x3FA9] =	sst s1  }
0xa: {  	[smem:$0x3FAA] =	sst s2  }
0xb: {  	[smem:$0x3FAB] =	sst s3  }
0xc: {  	[smem:$0x3FAC] =	sst s4  }
0xd: {  	[smem:$0x3FAD] =	sst s5  }
0xe: {  	[smem:$0x3FAE] =	sst s6  }
0xf: {  	[smem:$0x3FAF] =	sst s7  }
0x10: {  	[smem:$0x3FB0] =	sst s8  }
0x11: {  	[smem:$0x3FB1] =	sst s9;
	s0 =	simm.s32 @!p0 $0x0  }
0x12: {  	s1 =	sld [smem:$0x3F97];
	s0 =	simm.s32 @p0 $0x1  }
0x13: {  	[smem:$0x3FB2] =	sst s0;
	s0 =	simm.s32 @!p1 $0x0  }
0x14: {  	s2 =	sld [smem:$0x3F96];
	s0 =	simm.s32 @p1 $0x1  }
0x15: {  	[smem:$0x3FB3] =	sst s0;
	s0 =	simm.s32 @!p2 $0x0  }
0x16: {  	s3 =	sld [smem:$0x3FDB];
	s0 =	simm.s32 @p2 $0x1  }
0x17: {  	s4 =	simm.s32 $0x1BF5;
	[smem:$0x3FB5] =	sst s0  }
0x18: {  	s0 =	sld [smem:$0x3F98];
	_ =	swait.ge [sflag:s4], $0x0  }
0x19: {  	s7 =	sld [smem:$0x3F99]  }
0x1a: {  	s8 =	sadd.s32 $0xFFFFE003, lr  }
0x1b: {  	s9 =	sadd.s32 $0xFFFFFEF7, lr;
	s5 =	simm.s32 $0xFFFFFFFF;
	p2 =	slt.u32 s8, $0xFFFFF086  }
0x1c: {  	p1 =	slt.u32 s9, $0xF7A;
	s5 =	simm.s32 @!p2 $0x0  }
0x1d: {  	s5 =	simm.s32 @p1 $0x1;
	p0 =	seq.s32 s7, s2  }
0x1e: {  	s7 =	smul.u32 @!p0 $0xF7A, s2;
	p2 =	seq.s32 @!p0 s5, $0x0  }
0x1f: {  	s9 =	smul.u32 $0xF7A, s1;
	s8 =	simm.s32 @!p0 $0x1BF5;
	p2 =	por !p2, p0  }
0x20: {  	[sflag:s8] =	ssyncset.s32 @!p0 $0xFFFFF086;
	s6 =	sadd.s32 @!p0 s3, s7;
	s7 =	simm.s32 @!p0 $0x108  }
0x21: {  	s3 =	sadd.s32 s3, s9;
	s6 =	sadd.s32 @!p0 $0x88, s6;
	s7 =	simm.s32 @p2 $0x1082  }
0x22: {  	[simem:s7], [sflag:s8] =	dma.local @!p0 [hbm:s6], $0xF7A  }
0x23: {  	s9 =	sor.u32 $0xD0000000, s2;
	s6 =	simm.s32 $0x108;
	_ =	swait.ge @!p0 [sflag:s8], $0x0  }
0x24: {  	s3 =	sadd.s32 $0x88, s3;
	s6 =	simm.s32 @!p1 $0x1082;
	[sflag:s4] =	ssyncset.s32 $0xFFFFF086  }
0x25: {  	[simem:s6], [sflag:s4] =	dma.local [hbm:s3], $0xF7A  }
0x26: {  	[smem:$0x3F99] =	sst s1;
	(tag) =	ssettag s2;
	_ =	strace s9  }
0x27: {  	s1 =	sld [smem:$0x3FA9]  }
0x28: {  	s2 =	sld [smem:$0x3FAA]  }
0x29: {  	s4 =	sld [smem:$0x3FAC]  }
0x2a: {  	p0 =	seq.s32 s5, $0x0;
	s5 =	sld [smem:$0x3FAD]  }
0x2b: {  	s6 =	sld [smem:$0x3FAE]  }
0x2c: {  	s7 =	sld [smem:$0x3FAF]  }
0x2d: {  	s3 =	simm.s32 $0x108;
	s8 =	sld [smem:$0x3FB0]  }
0x2e: {  	s3 =	simm.s32 @!p0 $0x1082;
	s9 =	sld [smem:$0x3FB1]  }
0x2f: {  	lr =	sadd.s32 s0, s3;
	s0 =	sld [smem:$0x3FA8]  }
0x30: {  	s3 =	sld [smem:$0x3FAB]  }
0x31: {  	[smem:$0x3FB4] =	sst s10  }
0x32: {  	s10 =	sld [smem:$0x3FB2];
	_ =	sdelay $0x3  }
0x33: {  	p0 =	seq.s32 s10, $0x1;
	s10 =	sld [smem:$0x3FB4];
	_ =	sdelay $0x3  }
0x34: {  	[smem:$0x3FB4] =	sst s10  }
0x35: {  	s10 =	sld [smem:$0x3FB3];
	_ =	sdelay $0x3  }
0x36: {  	p1 =	seq.s32 s10, $0x1;
	s10 =	sld [smem:$0x3FB4];
	_ =	sdelay $0x3  }
0x37: {  	[smem:$0x3FB4] =	sst s10  }
0x38: {  	s10 =	sld [smem:$0x3FB5]  }
0x39: {  	_ = 	snop;
	(pc) =	sbr.ind lr, $3  }
0x3a: {  	_ = 	snop  }
0x3b: {  	_ = 	snop  }
0x3c: {  	p2 =	seq.s32 s10, $0x1;
	s10 =	sld [smem:$0x3FB4]  }
0x3d: {  	_ =	shalt  }
0x3e: {  	_ =	shalt  }
0x3f: {  	_ =	shalt  }
0x40: {  	_ =	shalt  }
0x41: {  	_ =	shalt  }
0x42: {  	_ =	shalt  }
0x43: {  	_ =	shalt  }
0x44: {  	_ =	shalt  }
0x45: {  	_ =	shalt  }
0x46: {  	_ =	shalt  }
0x47: {  	_ =	shalt  }
0x48: {  	_ =	shalt  }
0x49: {  	_ =	shalt  }
0x4a: {  	_ =	shalt  }
0x4b: {  	_ =	shalt  }
0x4c: {  	_ =	shalt  }
0x4d: {  	_ =	shalt  }
0x4e: {  	_ =	shalt  }
0x4f: {  	_ =	shalt  }
0x50: {  	_ =	shalt  }
0x51: {  	_ =	shalt  }
0x52: {  	_ =	shalt  }
0x53: {  	_ =	shalt  }
0x54: {  	_ =	shalt  }
0x55: {  	_ =	shalt  }
0x56: {  	_ =	shalt  }
0x57: {  	_ =	shalt  }
0x58: {  	_ =	shalt  }
0x59: {  	_ =	shalt  }
0x5a: {  	_ =	shalt  }
0x5b: {  	_ =	shalt  }
0x5c: {  	_ =	shalt  }
0x5d: {  	_ =	shalt  }
0x5e: {  	_ =	shalt  }
0x5f: {  	_ =	shalt  }
0x60: {  	_ =	shalt  }
0x61: {  	_ =	shalt  }
0x62: {  	_ =	shalt  }
0x63: {  	_ =	shalt  }
0x64: {  	_ =	shalt  }
0x65: {  	_ =	shalt  }
0x66: {  	_ =	shalt  }
0x67: {  	_ =	shalt  }
0x68: {  	_ =	shalt  }
0x69: {  	_ =	shalt  }
0x6a: {  	_ =	shalt  }
0x6b: {  	_ =	shalt  }
0x6c: {  	_ =	shalt  }
0x6d: {  	_ =	shalt  }
0x6e: {  	_ =	shalt  }
0x6f: {  	_ =	shalt  }
0x70: {  	_ =	shalt  }
0x71: {  	_ =	shalt  }
0x72: {  	_ =	shalt  }
0x73: {  	_ =	shalt  }
0x74: {  	_ =	shalt  }
0x75: {  	_ =	shalt  }
0x76: {  	_ =	shalt  }
0x77: {  	_ =	shalt  }
0x78: {  	_ =	shalt  }
0x79: {  	_ =	shalt  }
0x7a: {  	_ =	shalt  }
0x7b: {  	_ =	shalt  }
0x7c: {  	_ =	shalt  }
0x7d: {  	_ =	shalt  }
0x7e: {  	_ =	shalt  }
0x7f: {  	_ =	shalt  }
0x80: {  	_ =	shalt  }
0x81: {  	_ =	shalt  }
0x82: {  	_ =	shalt  }
0x83: {  	_ =	shalt  }
0x84: {  	_ =	shalt  }
0x85: {  	_ =	shalt  }
0x86: {  	_ =	shalt  }
0x87: {  	_ =	shalt  }
.Lfunc_end0:
.L_simem_size_0:
called_computation_lowered:
.L_overlay_start_0:
0x88: {  	s2 =	sld [smem:$0x3FD9]  }
0x89: {  	s3 =	sld [smem:$0x3FFE];
	_ =	sdelay $0x1  }
0x8a: {  	s1 =	srdreg.scid  }
0x8b: {  	s0 =	sand.u32 $0x1, s1  }
0x8c: {  	s17 =	sshll.u32 s0, $0xA;
	s2 =	sadd.s32 s3, s2  }
0x8d: {  	s2 =	sadd.s32 s2, s17  }
0x8e: {  	[smem:$0x3FC0] =	sst s2  }
0x8f: {  	_ = 	snop  }
0x90: {  	s2 =	sld [smem:$0x3FD0];
	(tm) =	ssettm $0x1  }
0x91: {  	s18 =	sld [smem:$0x3FFB];
	_ =	sdelay $0x3  }
0x92: {  	_ =	strace s18  }
0x93: {  	s3 =	sld [smem:$0x3FFC];
	_ =	sdelay $0x3  }
0x94: {  	_ =	strace s3  }
0x95: {  	s3 =	sld [smem:$0x3FFD];
	_ =	sdelay $0x3  }
0x96: {  	_ =	strace s3  }
0x97: {  	_ =	strace $0x8FFFFFFF  }
0x98: {  	s19 =	sld [smem:$0x3FDB];
	_ =	sdelay $0x1  }
0x99: {  	s4 =	simm.s32 $_scs_section_size  }
0x9a: {  	s5 =	simm.s32 $_size__tile_overlayer_lowered;
	s6 =	simm.s32 $_tile_overlayer_lowered  }
0x9b: {  	s22 =	simm.s32 $0x1BFF;
	s21 =	sshll.u32 s6, $0x1;
	s3 =	sadd.s32 s4, s19  }
0x9c: {  	s7 =	simm.s32 $0x0;
	s20 =	sshll.u32 s5, $0x1;
	s5 =	sadd.s32 s21, s3  }
0x9d: {  	[timem:s7], [sflag:s22] =	dma.local [hbm:s5], s20  }
0x9e: {  	_ =	swait.ge [sflag:s22], s20  }
0x9f: {  	s4 =	ssub.s32 $0x0, s20;
	[sflag:s22] =	ssyncset.done $0x0  }
0xa0: {  	[sflag:s22] =	ssyncadd.s32 s4;
	_ =	sdelay $0x1  }
0xa1: {  	s23 =	simm.s32 $0x1B8B  }
0xa2: {  	_ =	swait.ge [sflag:s23], $0x1  }
0xa3: {  	[sflag:s23] =	ssyncset.done $0x0  }
0xa4: {  	s25 =	simm.s32 $0x1B8E;
	s24 =	sld [smem:$0x3FFE];
	[sflag:s23] =	ssyncadd.s32 $0xFFFFFFFF  }
0xa5: {  	s26 =	simm.s32 $execute0_lowered;
	[smem:$0x3FD2] =	sst s25  }
0xa6: {  	s5 =	sshll.u32 s26, $0x1;
	_ =	strace $0x80000046;
	[dreg:$0x1] =	wrdreg $0xFFFFFFFF  }
0xa7: {  	s28 =	simm.s32 $_size_execute0_lowered;
	s3 =	sadd.s32 s3, s5;
	[dreg:$0x0] =	wrdreg $0x0  }
0xa8: {  	s5 =	sshll.u32 s28, $0x1;
	[dreg:$0x2] =	wrdreg s3  }
0xa9: {  	[dreg:$0x3] =	wrdreg s5  }
0xaa: {  	[dreg:$0x4] =	wrdreg $0xC0  }
0xab: {  	_ =	task [dreg:s7], $0x5FFFF  }
0xac: {  	[dreg:$0x1] =	wrdreg $0xFFFFFFFF  }
0xad: {  	[dreg:$0x0] =	wrdreg $0x60  }
0xae: {  	[dreg:$0x2] =	wrdreg s24  }
0xaf: {  	[dreg:$0x3] =	wrdreg s2  }
0xb0: {  	[dreg:$0x4] =	wrdreg $0x9  }
0xb1: {  	_ =	task.clear_ibuf [dreg:s7], $0x5FFFF;
	_ =	strace $0x90000046  }
0xb2: {  	s29 =	simm.s32 $0x9;
	_ =	strace $0x80000048  }
0xb3: {  	_ =	swait.ge [sflag:s29], $0x1  }
0xb4: {  	[sflag:s29] =	ssyncadd.s32 $0xFFFFFFFF  }
0xb5: {  	_ =	strace $0x90000048  }
0xb6: {  	_ =	sfence  }
0xb7: {  	s30 =	sld [smem:$0x0];
	_ =	sdelay $0x2  }
0xb8: {  	s31 =	sshll.u32 s1, $0xD;
	s1 =	sshrl.u32 s1, $0x2  }
0xb9: {  	s3 =	sand.u32 $0x4000, s31;
	s1 =	sadd.s32 s1, s30  }
0xba: {  	s0 =	sor.u32 s3, s0;
	s1 =	sshll.u32 s1, $0x11  }
0xbb: {  	s0 =	sor.u32 s1, s0  }
0xbc: {  	s0 =	sadd.s32 $0x8F2B, s0  }
0xbd: {  	[sflag:s0] =	ssyncadd.remote.s32 $0x1  }
0xbe: {  	_ =	sfence.sel $0xFFFF  }
0xbf: {  	[dreg:$0x0] =	wrdreg $0xFFFFFFFF;
	(pc) =	sbr.abs _section_cstart, $3  }
0xc0: {  	[dreg:$0x1] =	wrdreg $0xFFFFFFFF  }
0xc1: {  	_ =	task.clear_ibuf [dreg:s7], $0x2FFFF;
	_ =	strace $0x9FFFFFFF  }
0xc2: {  	(tm) =	ssettm $0x7FFFFFFF  }
0xc3: {  	_ =	shalt  }
tec
execute0_lowered:
.L_overlay_start_1:
0x0: {  	(tag) =	ssettag $0x1  }
0x1: {  	s0 =	srdreg.scid  }
0x2: {  	s3 =	rddreg [dreg:$0x0];
	s4 =	sand.u32 $0x1, s0  }
0x3: {  	s5 =	rddreg [dreg:$0x1];
	s1 =	stileid.u32;
	s6 =	sshll.u32 s4, $0x4  }
0x4: {  	s2 =	simm.s32 $0x0;
	s9 =	simm.s32 $0x0;
	s6 =	sor.u32 s1, s6  }
0x5: {  	s0 =	rddreg [dreg:$0x2];
	s4 =	ssub.s32 $0x2, s4;
	s7 =	smul.u32 $0x4F0, s6  }
0x6: {  	[smem:$0x7FF] =	sst s2;
	s8 =	sshrl.u32 s4, $0x1;
	s6 =	smul.u32 $0x4E4, s6  }
0x7: {  	_ =	strace $0x80000047;
	s8 =	ssub.s32 s4, s8;
	s7 =	sadd.s32 s7, s3  }
0x8: {  	s3 =	sadd.s32 $0xBA00, s3;
	s5 =	sadd.s32 s5, s6;
	s6 =	smax.u32 s8, $0x1  }
0x9: {  	v0 =	vimm.f32 $1.000000000e+00;
	s8 =	simm.s32 $0x2780;
	s4 =	sadd.s32 $0x1C00, s7;
	s7 =	simm.s32 $0x1  }
.LBB2_1:
0xa: {  	[tilespmem:s2], [sflag:$0x1] =	stream.linear.gather [hbm4b:s4+s2], $0x2780, $0x38;
	[tilespmem:$0x4EA0] =	vst v63  }
0xb: {  	_ =	swait.ge [sflag:s7], $0x2780  }
0xc: {  	[sflag:s7] =	ssyncset.done $0x0  }
0xd: {  	[sflag:s7] =	ssyncadd.s32 $0xFFFFD880  }
0xe: {  	[tilespmem:s8], [sflag:$0x1] =	stream.linear.gather [hbm4b:s3+s2], $0x2720, $0x38;
	[tilespmem:$0x4EA0] =	vst v63  }
0xf: {  	_ =	swait.ge [sflag:s7], $0x2720  }
0x10: {  	[sflag:s7] =	ssyncset.done $0x0  }
0x11: {  	s11 =	simm.s32 $0x0;
	s10 =	simm.s32 $0x40;
	[sflag:s7] =	ssyncadd.s32 $0xFFFFD8E0  }
.LBB2_2:
0x12: {  	p0 =	sne.s32 s10, $0x9DC0;
	v1 =	vld [tilespmem:s11+$0x0];
	_ =	sdelay $0x4  }
0x13: {  	v1 =	vand.u32 $0x3FFF, v1  }
.Ltmp0:
0x14: {  	(pc) =	sbr.rel @p0 .LBB2_2-.Ltmp0, $2  }
0x15: {  	_ =	sdelay $0x2  }
0x16: {  	s11 =	sshra.s32 s10, $0x2;
	s10 =	sadd.s32 $0x40, s10;
	[tilespmem:v1+s8+$0x0] =	vst.idx.add.f32.msk $0xffff, v0  }
0x17: {  	v1 =	vld [tilespmem:s11+$0x0];
	_ =	sdelay $0x4  }
0x18: {  	v1 =	vand.u32 $0x3FFF, v1;
	_ =	sdelay $0x2  }
0x19: {  	s9 =	sadd.s32 $0x1, s9  }
0x1a: {  	p0 =	sne.s32 s9, s6  }
.Ltmp1:
0x1b: {  	[tilespmem:v1+s8+$0x0] =	vst.idx.add.f32.msk $0xffff, v0;
	(pc) =	sbr.rel @p0 .LBB2_1-.Ltmp1, $4  }
0x1c: {  	[hbm4b:s5+s2] =	stream.linear.scatter [tilespmem:s8], [sflag:$0x1], $0x2720, $0x38;
	[tilespmem:$0x4EA0] =	vst v63  }
0x1d: {  	_ =	swait.ge [sflag:s7], $0x2720  }
0x1e: {  	[sflag:s7] =	ssyncset.done $0x0  }
0x1f: {  	[sflag:s7] =	ssyncadd.s32 $0xFFFFD8E0  }
0x20: {  	_ =	sfence.sel $0x180000  }
0x21: {  	[bflag:$0x0] =	sbarrier.arrive $0xFFFF  }
0x22: {  	p0 =	sne.s32 s1, $0x0;
	_ =	strace $0x90000047  }
0x23: {  	s0 =	sadd.s32 @!p0 $0x100000, s0;
	[bflag:$0x2] =	sbarrier.arrive $0xFFFF  }
0x24: {  	[sflag:s0] =	ssyncadd.tile.s32 @!p0 $0x1;
	_ =	shalt  }
.Lfunc_end2:
_tile_overlayer_lowered:
.L_overlay_start_2:
0x25: {  	(tag) =	ssettag $0x2  }
0x26: {  	s0 =	rddreg [dreg:$0x0];
	s2 =	stileid.u32  }
0x27: {  	s1 =	rddreg [dreg:$0x1];
	p0 =	sne.s32 s2, $0x0  }
0x28: {  	s3 =	rddreg [dreg:$0x2];
	[bflag:$0x3] =	sbarrier.arrive $0xFFFF;
	s2 =	simm.s32 @!p0 $0x1C01  }
0x29: {  	[timem:s3], [sflag:s2] =	dma.local @!p0 [hbm:s0], s1  }
0x2a: {  	s0 =	simm.s32 @!p0 $0x1  }
0x2b: {  	_ =	swait.ge @!p0 [sflag:s0], s1  }
0x2c: {  	s1 =	ssub.s32 @!p0 $0x0, s1;
	[sflag:s0] =	ssyncset.done @!p0 $0x0  }
0x2d: {  	[sflag:s0] =	ssyncadd.s32 @!p0 s1  }
0x2e: {  	[bflag:$0x3] =	sbarrier.arrive $0xFFFF  }
0x2f: {  	_ =	shalt  }

// kernel: sc_edge_scatter.4.cloned.1.call-start
scs
__scs_entry_jumppad:
0x0: {  	(pc) =	sbr.rel $0x88, $3  }
0x1: {  	(tag) =	ssettag $0x0;
	lr =	simm.s32 $0x1  }
0x2: {  	[smem:$0x3F99] =	sst lr;
	_ =	strace $0xD0000000  }
0x3: {  	_ = 	snop  }
0x4: {  	_ = 	snop  }
0x5: {  	_ = 	snop  }
0x6: {  	_ = 	snop  }
0x7: {  	_ = 	snop  }
__scs_overlays_trampoline_lowered:
0x8: {  	[smem:$0x3FA8] =	sst s0  }
0x9: {  	[smem:$0x3FA9] =	sst s1  }
0xa: {  	[smem:$0x3FAA] =	sst s2  }
0xb: {  	[smem:$0x3FAB] =	sst s3  }
0xc: {  	[smem:$0x3FAC] =	sst s4  }
0xd: {  	[smem:$0x3FAD] =	sst s5  }
0xe: {  	[smem:$0x3FAE] =	sst s6  }
0xf: {  	[smem:$0x3FAF] =	sst s7  }
0x10: {  	[smem:$0x3FB0] =	sst s8  }
0x11: {  	[smem:$0x3FB1] =	sst s9;
	s0 =	simm.s32 @!p0 $0x0  }
0x12: {  	s1 =	sld [smem:$0x3F97];
	s0 =	simm.s32 @p0 $0x1  }
0x13: {  	[smem:$0x3FB2] =	sst s0;
	s0 =	simm.s32 @!p1 $0x0  }
0x14: {  	s2 =	sld [smem:$0x3F96];
	s0 =	simm.s32 @p1 $0x1  }
0x15: {  	[smem:$0x3FB3] =	sst s0;
	s0 =	simm.s32 @!p2 $0x0  }
0x16: {  	s3 =	sld [smem:$0x3FDB];
	s0 =	simm.s32 @p2 $0x1  }
0x17: {  	s4 =	simm.s32 $0x1BF5;
	[smem:$0x3FB5] =	sst s0  }
0x18: {  	s0 =	sld [smem:$0x3F98];
	_ =	swait.ge [sflag:s4], $0x0  }
0x19: {  	s7 =	sld [smem:$0x3F99]  }
0x1a: {  	s8 =	sadd.s32 $0xFFFFE003, lr  }
0x1b: {  	s9 =	sadd.s32 $0xFFFFFEF7, lr;
	s5 =	simm.s32 $0xFFFFFFFF;
	p2 =	slt.u32 s8, $0xFFFFF086  }
0x1c: {  	p1 =	slt.u32 s9, $0xF7A;
	s5 =	simm.s32 @!p2 $0x0  }
0x1d: {  	s5 =	simm.s32 @p1 $0x1;
	p0 =	seq.s32 s7, s2  }
0x1e: {  	s7 =	smul.u32 @!p0 $0xF7A, s2;
	p2 =	seq.s32 @!p0 s5, $0x0  }
0x1f: {  	s9 =	smul.u32 $0xF7A, s1;
	s8 =	simm.s32 @!p0 $0x1BF5;
	p2 =	por !p2, p0  }
0x20: {  	[sflag:s8] =	ssyncset.s32 @!p0 $0xFFFFF086;
	s6 =	sadd.s32 @!p0 s3, s7;
	s7 =	simm.s32 @!p0 $0x108  }
0x21: {  	s3 =	sadd.s32 s3, s9;
	s6 =	sadd.s32 @!p0 $0x88, s6;
	s7 =	simm.s32 @p2 $0x1082  }
0x22: {  	[simem:s7], [sflag:s8] =	dma.local @!p0 [hbm:s6], $0xF7A  }
0x23: {  	s9 =	sor.u32 $0xD0000000, s2;
	s6 =	simm.s32 $0x108;
	_ =	swait.ge @!p0 [sflag:s8], $0x0  }
0x24: {  	s3 =	sadd.s32 $0x88, s3;
	s6 =	simm.s32 @!p1 $0x1082;
	[sflag:s4] =	ssyncset.s32 $0xFFFFF086  }
0x25: {  	[simem:s6], [sflag:s4] =	dma.local [hbm:s3], $0xF7A  }
0x26: {  	[smem:$0x3F99] =	sst s1;
	(tag) =	ssettag s2;
	_ =	strace s9  }
0x27: {  	s1 =	sld [smem:$0x3FA9]  }
0x28: {  	s2 =	sld [smem:$0x3FAA]  }
0x29: {  	s4 =	sld [smem:$0x3FAC]  }
0x2a: {  	p0 =	seq.s32 s5, $0x0;
	s5 =	sld [smem:$0x3FAD]  }
0x2b: {  	s6 =	sld [smem:$0x3FAE]  }
0x2c: {  	s7 =	sld [smem:$0x3FAF]  }
0x2d: {  	s3 =	simm.s32 $0x108;
	s8 =	sld [smem:$0x3FB0]  }
0x2e: {  	s3 =	simm.s32 @!p0 $0x1082;
	s9 =	sld [smem:$0x3FB1]  }
0x2f: {  	lr =	sadd.s32 s0, s3;
	s0 =	sld [smem:$0x3FA8]  }
0x30: {  	s3 =	sld [smem:$0x3FAB]  }
0x31: {  	[smem:$0x3FB4] =	sst s10  }
0x32: {  	s10 =	sld [smem:$0x3FB2];
	_ =	sdelay $0x3  }
0x33: {  	p0 =	seq.s32 s10, $0x1;
	s10 =	sld [smem:$0x3FB4];
	_ =	sdelay $0x3  }
0x34: {  	[smem:$0x3FB4] =	sst s10  }
0x35: {  	s10 =	sld [smem:$0x3FB3];
	_ =	sdelay $0x3  }
0x36: {  	p1 =	seq.s32 s10, $0x1;
	s10 =	sld [smem:$0x3FB4];
	_ =	sdelay $0x3  }
0x37: {  	[smem:$0x3FB4] =	sst s10  }
0x38: {  	s10 =	sld [smem:$0x3FB5]  }
0x39: {  	_ = 	snop;
	(pc) =	sbr.ind lr, $3  }
0x3a: {  	_ = 	snop  }
0x3b: {  	_ = 	snop  }
0x3c: {  	p2 =	seq.s32 s10, $0x1;
	s10 =	sld [smem:$0x3FB4]  }
0x3d: {  	_ =	shalt  }
0x3e: {  	_ =	shalt  }
0x3f: {  	_ =	shalt  }
0x40: {  	_ =	shalt  }
0x41: {  	_ =	shalt  }
0x42: {  	_ =	shalt  }
0x43: {  	_ =	shalt  }
0x44: {  	_ =	shalt  }
0x45: {  	_ =	shalt  }
0x46: {  	_ =	shalt  }
0x47: {  	_ =	shalt  }
0x48: {  	_ =	shalt  }
0x49: {  	_ =	shalt  }
0x4a: {  	_ =	shalt  }
0x4b: {  	_ =	shalt  }
0x4c: {  	_ =	shalt  }
0x4d: {  	_ =	shalt  }
0x4e: {  	_ =	shalt  }
0x4f: {  	_ =	shalt  }
0x50: {  	_ =	shalt  }
0x51: {  	_ =	shalt  }
0x52: {  	_ =	shalt  }
0x53: {  	_ =	shalt  }
0x54: {  	_ =	shalt  }
0x55: {  	_ =	shalt  }
0x56: {  	_ =	shalt  }
0x57: {  	_ =	shalt  }
0x58: {  	_ =	shalt  }
0x59: {  	_ =	shalt  }
0x5a: {  	_ =	shalt  }
0x5b: {  	_ =	shalt  }
0x5c: {  	_ =	shalt  }
0x5d: {  	_ =	shalt  }
0x5e: {  	_ =	shalt  }
0x5f: {  	_ =	shalt  }
0x60: {  	_ =	shalt  }
0x61: {  	_ =	shalt  }
0x62: {  	_ =	shalt  }
0x63: {  	_ =	shalt  }
0x64: {  	_ =	shalt  }
0x65: {  	_ =	shalt  }
0x66: {  	_ =	shalt  }
0x67: {  	_ =	shalt  }
0x68: {  	_ =	shalt  }
0x69: {  	_ =	shalt  }
0x6a: {  	_ =	shalt  }
0x6b: {  	_ =	shalt  }
0x6c: {  	_ =	shalt  }
0x6d: {  	_ =	shalt  }
0x6e: {  	_ =	shalt  }
0x6f: {  	_ =	shalt  }
0x70: {  	_ =	shalt  }
0x71: {  	_ =	shalt  }
0x72: {  	_ =	shalt  }
0x73: {  	_ =	shalt  }
0x74: {  	_ =	shalt  }
0x75: {  	_ =	shalt  }
0x76: {  	_ =	shalt  }
0x77: {  	_ =	shalt  }
0x78: {  	_ =	shalt  }
0x79: {  	_ =	shalt  }
0x7a: {  	_ =	shalt  }
0x7b: {  	_ =	shalt  }
0x7c: {  	_ =	shalt  }
0x7d: {  	_ =	shalt  }
0x7e: {  	_ =	shalt  }
0x7f: {  	_ =	shalt  }
0x80: {  	_ =	shalt  }
0x81: {  	_ =	shalt  }
0x82: {  	_ =	shalt  }
0x83: {  	_ =	shalt  }
0x84: {  	_ =	shalt  }
0x85: {  	_ =	shalt  }
0x86: {  	_ =	shalt  }
0x87: {  	_ =	shalt  }
.Lfunc_end0:
.L_simem_size_0:
called_computation.1_lowered:
.L_overlay_start_0:
0x88: {  	s2 =	sld [smem:$0x3FD9]  }
0x89: {  	s3 =	sld [smem:$0x3FFE];
	_ =	sdelay $0x1  }
0x8a: {  	s1 =	srdreg.scid  }
0x8b: {  	s0 =	sand.u32 $0x1, s1  }
0x8c: {  	s17 =	sshll.u32 s0, $0xA;
	s2 =	sadd.s32 s3, s2  }
0x8d: {  	s2 =	sadd.s32 s2, s17  }
0x8e: {  	[smem:$0x3FC0] =	sst s2  }
0x8f: {  	_ = 	snop  }
0x90: {  	s2 =	sld [smem:$0x3FD0];
	(tm) =	ssettm $0x1  }
0x91: {  	s18 =	sld [smem:$0x3FFB];
	_ =	sdelay $0x3  }
0x92: {  	_ =	strace s18  }
0x93: {  	s3 =	sld [smem:$0x3FFC];
	_ =	sdelay $0x3  }
0x94: {  	_ =	strace s3  }
0x95: {  	s3 =	sld [smem:$0x3FFD];
	_ =	sdelay $0x3  }
0x96: {  	_ =	strace s3  }
0x97: {  	_ =	strace $0x8FFFFFFF  }
0x98: {  	s19 =	sld [smem:$0x3FDB];
	_ =	sdelay $0x1  }
0x99: {  	s4 =	simm.s32 $_scs_section_size  }
0x9a: {  	s5 =	simm.s32 $_size__tile_overlayer_lowered;
	s6 =	simm.s32 $_tile_overlayer_lowered  }
0x9b: {  	s22 =	simm.s32 $0x1BFF;
	s21 =	sshll.u32 s6, $0x1;
	s3 =	sadd.s32 s4, s19  }
0x9c: {  	s7 =	simm.s32 $0x0;
	s20 =	sshll.u32 s5, $0x1;
	s5 =	sadd.s32 s21, s3  }
0x9d: {  	[timem:s7], [sflag:s22] =	dma.local [hbm:s5], s20  }
0x9e: {  	_ =	swait.ge [sflag:s22], s20  }
0x9f: {  	s4 =	ssub.s32 $0x0, s20;
	[sflag:s22] =	ssyncset.done $0x0  }
0xa0: {  	[sflag:s22] =	ssyncadd.s32 s4;
	_ =	sdelay $0x1  }
0xa1: {  	s23 =	simm.s32 $0x1B8B  }
0xa2: {  	_ =	swait.ge [sflag:s23], $0x1  }
0xa3: {  	[sflag:s23] =	ssyncset.done $0x0  }
0xa4: {  	s25 =	simm.s32 $0x1B8E;
	s24 =	sld [smem:$0x3FFE];
	[sflag:s23] =	ssyncadd.s32 $0xFFFFFFFF  }
0xa5: {  	s26 =	simm.s32 $execute0_lowered;
	[smem:$0x3FD2] =	sst s25  }
0xa6: {  	s5 =	sshll.u32 s26, $0x1;
	_ =	strace $0x80000049;
	[dreg:$0x1] =	wrdreg $0xFFFFFFFF  }
0xa7: {  	s28 =	simm.s32 $_size_execute0_lowered;
	s3 =	sadd.s32 s3, s5;
	[dreg:$0x0] =	wrdreg $0x0  }
0xa8: {  	s5 =	sshll.u32 s28, $0x1;
	[dreg:$0x2] =	wrdreg s3  }
0xa9: {  	[dreg:$0x3] =	wrdreg s5  }
0xaa: {  	[dreg:$0x4] =	wrdreg $0xC0  }
0xab: {  	_ =	task [dreg:s7], $0x5FFFF  }
0xac: {  	[dreg:$0x1] =	wrdreg $0xFFFFFFFF  }
0xad: {  	[dreg:$0x0] =	wrdreg $0x60  }
0xae: {  	[dreg:$0x2] =	wrdreg s2  }
0xaf: {  	[dreg:$0x3] =	wrdreg s24  }
0xb0: {  	[dreg:$0x4] =	wrdreg $0x9  }
0xb1: {  	_ =	task.clear_ibuf [dreg:s7], $0x5FFFF;
	_ =	strace $0x90000049  }
0xb2: {  	s29 =	simm.s32 $0x9;
	_ =	strace $0x8000004B  }
0xb3: {  	_ =	swait.ge [sflag:s29], $0x1  }
0xb4: {  	[sflag:s29] =	ssyncadd.s32 $0xFFFFFFFF  }
0xb5: {  	_ =	strace $0x9000004B  }
0xb6: {  	_ =	sfence  }
0xb7: {  	s30 =	sld [smem:$0x0];
	_ =	sdelay $0x2  }
0xb8: {  	s31 =	sshll.u32 s1, $0xD;
	s1 =	sshrl.u32 s1, $0x2  }
0xb9: {  	s3 =	sand.u32 $0x4000, s31;
	s1 =	sadd.s32 s1, s30  }
0xba: {  	s0 =	sor.u32 s3, s0;
	s1 =	sshll.u32 s1, $0x11  }
0xbb: {  	s0 =	sor.u32 s1, s0  }
0xbc: {  	s0 =	sadd.s32 $0x8F2B, s0  }
0xbd: {  	[sflag:s0] =	ssyncadd.remote.s32 $0x1  }
0xbe: {  	_ =	sfence.sel $0xFFFF  }
0xbf: {  	[dreg:$0x0] =	wrdreg $0xFFFFFFFF;
	(pc) =	sbr.abs _section_cstart, $3  }
0xc0: {  	[dreg:$0x1] =	wrdreg $0xFFFFFFFF  }
0xc1: {  	_ =	task.clear_ibuf [dreg:s7], $0x2FFFF;
	_ =	strace $0x9FFFFFFF  }
0xc2: {  	(tm) =	ssettm $0x7FFFFFFF  }
0xc3: {  	_ =	shalt  }
tec
execute0_lowered:
.L_overlay_start_1:
0x0: {  	(tag) =	ssettag $0x1  }
0x1: {  	s1 =	srdreg.scid  }
0x2: {  	s8 =	rddreg [dreg:$0x0];
	s0 =	stileid.u32  }
0x3: {  	s5 =	rddreg [dreg:$0x1];
	s19 =	simm.s32 $0xEA80;
	s4 =	sand.u32 $0x1, s1  }
0x4: {  	s20 =	simm.s32 $0x7530;
	s3 =	sshll.u32 s0, $0x2;
	s2 =	sshll.u32 s4, $0x6  }
0x5: {  	s21 =	simm.s32 $0x111A0;
	s22 =	simm.s32 $0x138C0;
	s6 =	sor.u32 s3, s2  }
0x6: {  	s23 =	simm.s32 $0x0;
	s1 =	rddreg [dreg:$0x2];
	s7 =	smul.u32 $0x4E2, s6  }
0x7: {  	s18 =	sadd.s32 $0xC000, s5;
	s9 =	sor.u32 $0x1, s6;
	s17 =	smul.u32 $0x4E4, s6  }
0x8: {  	s14 =	ssub.s32 $0x2, s4;
	s11 =	sor.u32 $0x2, s6;
	s10 =	smul.u32 $0x4E2, s9  }
0x9: {  	s4 =	sadd.s32 $0xBA00, s5;
	s13 =	sor.u32 $0x3, s6;
	s12 =	smul.u32 $0x4E2, s11  }
0xa: {  	s2 =	simm.s32 $0x0;
	s3 =	sadd.s32 $0x1C00, s5;
	s15 =	smul.u32 $0x4E2, s13  }
0xb: {  	s16 =	sshrl.u32 s14, $0x1;
	[smem:$0x7FF] =	sst s2;
	s30 =	smul.u32 $0x4E4, s9  }
0xc: {  	s14 =	ssub.s32 s14, s16;
	s16 =	simm.s32 $0x2710;
	s11 =	smul.u32 $0x4E4, s11  }
0xd: {  	_ =	strace $0x8000004A;
	s31 =	smul.u32 $0x4E4, s13;
	s13 =	smax.u32 s14, $0x1  }
0xe: {  	s14 =	simm.s32 $0x1;
	s5 =	sadd.s32 s8, s7;
	s9 =	sadd.s32 s18, s17  }
0xf: {  	s17 =	simm.s32 $0xC360;
	s6 =	sadd.s32 s8, s10;
	s7 =	sadd.s32 s8, s12  }
0x10: {  	s8 =	sadd.s32 s8, s15;
	s10 =	sadd.s32 s18, s30;
	s11 =	sadd.s32 s18, s11  }
0x11: {  	s12 =	sadd.s32 s18, s31;
	s15 =	simm.s32 $0x9C40;
	s18 =	simm.s32 $0x4E20  }
.LBB2_1:
0x12: {  	[tilespmem:s2], [sflag:$0x1] =	stream.linear.gather [hbm4b:s5+s2], $0x2710, $0x38;
	[tilespmem:$0x148C0] =	vst v63  }
0x13: {  	_ =	swait.ge [sflag:s14], $0x2710  }
0x14: {  	[sflag:s14] =	ssyncset.done $0x0  }
0x15: {  	[sflag:s14] =	ssyncadd.s32 $0xFFFFD8F0  }
0x16: {  	[tilespmem:s15], [sflag:$0x1] =	stream.linear.gather [hbm4b:s4+s2], $0x2720, $0x38;
	[tilespmem:$0x148C0] =	vst v63  }
0x17: {  	_ =	swait.ge [sflag:s14], $0x2720  }
0x18: {  	[sflag:s14] =	ssyncset.done $0x0  }
0x19: {  	[sflag:s14] =	ssyncadd.s32 $0xFFFFD8E0  }
0x1a: {  	[tilespmem:s16], [sflag:$0x1] =	stream.linear.gather [hbm4b:s6+s2], $0x2710, $0x38;
	[tilespmem:$0x148C0] =	vst v63  }
0x1b: {  	_ =	swait.ge [sflag:s14], $0x2710  }
0x1c: {  	[sflag:s14] =	ssyncset.done $0x0  }
0x1d: {  	[sflag:s14] =	ssyncadd.s32 $0xFFFFD8F0  }
0x1e: {  	[tilespmem:s17], [sflag:$0x1] =	stream.linear.gather [hbm4b:s4+s2], $0x2720, $0x38;
	[tilespmem:$0x148C0] =	vst v63  }
0x1f: {  	_ =	swait.ge [sflag:s14], $0x2720  }
0x20: {  	[sflag:s14] =	ssyncset.done $0x0  }
0x21: {  	[sflag:s14] =	ssyncadd.s32 $0xFFFFD8E0  }
0x22: {  	[tilespmem:s18], [sflag:$0x1] =	stream.linear.gather [hbm4b:s7+s2], $0x2710, $0x38;
	[tilespmem:$0x148C0] =	vst v63  }
0x23: {  	_ =	swait.ge [sflag:s14], $0x2710  }
0x24: {  	[sflag:s14] =	ssyncset.done $0x0  }
0x25: {  	[sflag:s14] =	ssyncadd.s32 $0xFFFFD8F0  }
0x26: {  	[tilespmem:s19], [sflag:$0x1] =	stream.linear.gather [hbm4b:s4+s2], $0x2720, $0x38;
	[tilespmem:$0x148C0] =	vst v63  }
0x27: {  	_ =	swait.ge [sflag:s14], $0x2720  }
0x28: {  	[sflag:s14] =	ssyncset.done $0x0  }
0x29: {  	[sflag:s14] =	ssyncadd.s32 $0xFFFFD8E0  }
0x2a: {  	[tilespmem:s20], [sflag:$0x1] =	stream.linear.gather [hbm4b:s8+s2], $0x2710, $0x38;
	[tilespmem:$0x148C0] =	vst v63  }
0x2b: {  	_ =	swait.ge [sflag:s14], $0x2710  }
0x2c: {  	[sflag:s14] =	ssyncset.done $0x0  }
0x2d: {  	[sflag:s14] =	ssyncadd.s32 $0xFFFFD8F0  }
0x2e: {  	[tilespmem:s21], [sflag:$0x1] =	stream.linear.gather [hbm4b:s4+s2], $0x2720, $0x38;
	[tilespmem:$0x148C0] =	vst v63  }
0x2f: {  	_ =	swait.ge [sflag:s14], $0x2720  }
0x30: {  	[sflag:s14] =	ssyncset.done $0x0  }
0x31: {  	s24 =	simm.s32 $0x0;
	[sflag:s14] =	ssyncadd.s32 $0xFFFFD8E0  }
.LBB2_2:
0x32: {  	s25 =	sshll.u32 s24, $0x9  }
0x33: {  	s26 =	sadd.s32 s3, s25;
	s25 =	simm.s32 $0x0  }
0x34: {  	[tilespmem:s22], [sflag:$0x1] =	stream.linear.gather [hbm4b:s26+s25], $0x1000, $0x38;
	[tilespmem:$0x148C0] =	vst v63  }
0x35: {  	_ =	swait.ge [sflag:s14], $0x1000  }
0x36: {  	[sflag:s14] =	ssyncset.done $0x0  }
0x37: {  	[sflag:s14] =	ssyncadd.s32 $0xFFFFF000  }
.LBB2_3:
0x38: {  	s26 =	sshra.s32 s25, $0x2  }
0x39: {  	v0 =	vld [tilespmem:s26+$0x138C0];
	_ =	sdelay $0x4  }
0x3a: {  	v1 =	vshrl.u32 v0, $0xE;
	_ =	sdelay $0x4  }
0x3b: {  	v0 =	vand.u32 $0x3FFF, v0;
	v2 =	vld.idx.msk [tilespmem:v1+s2+$0x0], $0xffff;
	_ =	sdelay $0x4  }
0x3c: {  	[tilespmem:v0+s15+$0x0] =	vst.idx.add.f32.msk $0xffff, v2  }
0x3d: {  	v2 =	vld.idx.msk [tilespmem:v1+s16+$0x0], $0xffff;
	_ =	sdelay $0x4  }
0x3e: {  	[tilespmem:v0+s17+$0x0] =	vst.idx.add.f32.msk $0xffff, v2  }
0x3f: {  	v2 =	vld.idx.msk [tilespmem:v1+s18+$0x0], $0xffff;
	_ =	sdelay $0x4  }
0x40: {  	[tilespmem:v0+s19+$0x0] =	vst.idx.add.f32.msk $0xffff, v2  }
0x41: {  	v1 =	vld.idx.msk [tilespmem:v1+s20+$0x0], $0xffff;
	_ =	sdelay $0x4  }
0x42: {  	[tilespmem:v0+s21+$0x0] =	vst.idx.add.f32.msk $0xffff, v1  }
0x43: {  	v0 =	vld [tilespmem:s26+$0x138D0];
	_ =	sdelay $0x4  }
0x44: {  	v57 =	vshrl.u32 v0, $0xE;
	_ =	sdelay $0x4  }
0x45: {  	v0 =	vand.u32 $0x3FFF, v0;
	v2 =	vld.idx.msk [tilespmem:v57+s2+$0x0], $0xffff;
	_ =	sdelay $0x4  }
0x46: {  	[tilespmem:v0+s15+$0x0] =	vst.idx.add.f32.msk $0xffff, v2  }
0x47: {  	v2 =	vld.idx.msk [tilespmem:v57+s16+$0x0], $0xffff;
	_ =	sdelay $0x4  }
0x48: {  	[tilespmem:v0+s17+$0x0] =	vst.idx.add.f32.msk $0xffff, v2  }
0x49: {  	v2 =	vld.idx.msk [tilespmem:v57+s18+$0x0], $0xffff;
	_ =	sdelay $0x4  }
0x4a: {  	[tilespmem:v0+s19+$0x0] =	vst.idx.add.f32.msk $0xffff, v2  }
0x4b: {  	v1 =	vld.idx.msk [tilespmem:v57+s20+$0x0], $0xffff;
	_ =	sdelay $0x4  }
0x4c: {  	[tilespmem:v0+s21+$0x0] =	vst.idx.add.f32.msk $0xffff, v1  }
0x4d: {  	v0 =	vld [tilespmem:s26+$0x138E0];
	_ =	sdelay $0x4  }
0x4e: {  	v58 =	vshrl.u32 v0, $0xE;
	_ =	sdelay $0x4  }
0x4f: {  	v0 =	vand.u32 $0x3FFF, v0;
	v2 =	vld.idx.msk [tilespmem:v58+s2+$0x0], $0xffff;
	_ =	sdelay $0x4  }
0x50: {  	[tilespmem:v0+s15+$0x0] =	vst.idx.add.f32.msk $0xffff, v2  }
0x51: {  	v2 =	vld.idx.msk [tilespmem:v58+s16+$0x0], $0xffff;
	_ =	sdelay $0x4  }
0x52: {  	[tilespmem:v0+s17+$0x0] =	vst.idx.add.f32.msk $0xffff, v2  }
0x53: {  	v2 =	vld.idx.msk [tilespmem:v58+s18+$0x0], $0xffff;
	_ =	sdelay $0x4  }
0x54: {  	[tilespmem:v0+s19+$0x0] =	vst.idx.add.f32.msk $0xffff, v2  }
0x55: {  	v1 =	vld.idx.msk [tilespmem:v58+s20+$0x0], $0xffff;
	_ =	sdelay $0x4  }
0x56: {  	[tilespmem:v0+s21+$0x0] =	vst.idx.add.f32.msk $0xffff, v1  }
0x57: {  	v0 =	vld [tilespmem:s26+$0x138F0];
	_ =	sdelay $0x4  }
0x58: {  	v59 =	vshrl.u32 v0, $0xE;
	_ =	sdelay $0x4  }
0x59: {  	v0 =	vand.u32 $0x3FFF, v0;
	v2 =	vld.idx.msk [tilespmem:v59+s2+$0x0], $0xffff;
	_ =	sdelay $0x4  }
0x5a: {  	[tilespmem:v0+s15+$0x0] =	vst.idx.add.f32.msk $0xffff, v2  }
0x5b: {  	v2 =	vld.idx.msk [tilespmem:v59+s16+$0x0], $0xffff;
	_ =	sdelay $0x4  }
0x5c: {  	[tilespmem:v0+s17+$0x0] =	vst.idx.add.f32.msk $0xffff, v2  }
0x5d: {  	v2 =	vld.idx.msk [tilespmem:v59+s18+$0x0], $0xffff;
	_ =	sdelay $0x4  }
0x5e: {  	[tilespmem:v0+s19+$0x0] =	vst.idx.add.f32.msk $0xffff, v2  }
0x5f: {  	v1 =	vld.idx.msk [tilespmem:v59+s20+$0x0], $0xffff;
	_ =	sdelay $0x4  }
0x60: {  	[tilespmem:v0+s21+$0x0] =	vst.idx.add.f32.msk $0xffff, v1  }
0x61: {  	v0 =	vld [tilespmem:s26+$0x13900];
	_ =	sdelay $0x4  }
0x62: {  	v60 =	vshrl.u32 v0, $0xE;
	_ =	sdelay $0x4  }
0x63: {  	v0 =	vand.u32 $0x3FFF, v0;
	v2 =	vld.idx.msk [tilespmem:v60+s2+$0x0], $0xffff;
	_ =	sdelay $0x4  }
0x64: {  	[tilespmem:v0+s15+$0x0] =	vst.idx.add.f32.msk $0xffff, v2  }
0x65: {  	v2 =	vld.idx.msk [tilespmem:v60+s16+$0x0], $0xffff;
	_ =	sdelay $0x4  }
0x66: {  	[tilespmem:v0+s17+$0x0] =	vst.idx.add.f32.msk $0xffff, v2  }
0x67: {  	v2 =	vld.idx.msk [tilespmem:v60+s18+$0x0], $0xffff;
	_ =	sdelay $0x4  }
0x68: {  	[tilespmem:v0+s19+$0x0] =	vst.idx.add.f32.msk $0xffff, v2  }
0x69: {  	v1 =	vld.idx.msk [tilespmem:v60+s20+$0x0], $0xffff;
	_ =	sdelay $0x4  }
0x6a: {  	[tilespmem:v0+s21+$0x0] =	vst.idx.add.f32.msk $0xffff, v1  }
0x6b: {  	v0 =	vld [tilespmem:s26+$0x13910];
	_ =	sdelay $0x4  }
0x6c: {  	v61 =	vshrl.u32 v0, $0xE;
	_ =	sdelay $0x4  }
0x6d: {  	v0 =	vand.u32 $0x3FFF, v0;
	v2 =	vld.idx.msk [tilespmem:v61+s2+$0x0], $0xffff;
	_ =	sdelay $0x4  }
0x6e: {  	[tilespmem:v0+s15+$0x0] =	vst.idx.add.f32.msk $0xffff, v2  }
0x6f: {  	v2 =	vld.idx.msk [tilespmem:v61+s16+$0x0], $0xffff;
	_ =	sdelay $0x4  }
0x70: {  	[tilespmem:v0+s17+$0x0] =	vst.idx.add.f32.msk $0xffff, v2  }
0x71: {  	v2 =	vld.idx.msk [tilespmem:v61+s18+$0x0], $0xffff;
	_ =	sdelay $0x4  }
0x72: {  	[tilespmem:v0+s19+$0x0] =	vst.idx.add.f32.msk $0xffff, v2  }
0x73: {  	v1 =	vld.idx.msk [tilespmem:v61+s20+$0x0], $0xffff;
	_ =	sdelay $0x4  }
0x74: {  	[tilespmem:v0+s21+$0x0] =	vst.idx.add.f32.msk $0xffff, v1  }
0x75: {  	v0 =	vld [tilespmem:s26+$0x13920];
	_ =	sdelay $0x4  }
0x76: {  	v62 =	vshrl.u32 v0, $0xE;
	_ =	sdelay $0x4  }
0x77: {  	v0 =	vand.u32 $0x3FFF, v0;
	v2 =	vld.idx.msk [tilespmem:v62+s2+$0x0], $0xffff;
	_ =	sdelay $0x4  }
0x78: {  	[tilespmem:v0+s15+$0x0] =	vst.idx.add.f32.msk $0xffff, v2  }
0x79: {  	v2 =	vld.idx.msk [tilespmem:v62+s16+$0x0], $0xffff;
	_ =	sdelay $0x4  }
0x7a: {  	[tilespmem:v0+s17+$0x0] =	vst.idx.add.f32.msk $0xffff, v2  }
0x7b: {  	v2 =	vld.idx.msk [tilespmem:v62+s18+$0x0], $0xffff;
	_ =	sdelay $0x4  }
0x7c: {  	[tilespmem:v0+s19+$0x0] =	vst.idx.add.f32.msk $0xffff, v2  }
0x7d: {  	v1 =	vld.idx.msk [tilespmem:v62+s20+$0x0], $0xffff;
	_ =	sdelay $0x4  }
0x7e: {  	[tilespmem:v0+s21+$0x0] =	vst.idx.add.f32.msk $0xffff, v1  }
0x7f: {  	v0 =	vld [tilespmem:s26+$0x13930];
	_ =	sdelay $0x4  }
0x80: {  	v63 =	vshrl.u32 v0, $0xE;
	_ =	sdelay $0x4  }
0x81: {  	v0 =	vand.u32 $0x3FFF, v0;
	v2 =	vld.idx.msk [tilespmem:v63+s2+$0x0], $0xffff;
	_ =	sdelay $0x4  }
0x82: {  	[tilespmem:v0+s15+$0x0] =	vst.idx.add.f32.msk $0xffff, v2  }
0x83: {  	v2 =	vld.idx.msk [tilespmem:v63+s16+$0x0], $0xffff;
	_ =	sdelay $0x4  }
0x84: {  	[tilespmem:v0+s17+$0x0] =	vst.idx.add.f32.msk $0xffff, v2  }
0x85: {  	v2 =	vld.idx.msk [tilespmem:v63+s18+$0x0], $0xffff;
	_ =	sdelay $0x4  }
0x86: {  	[tilespmem:v0+s19+$0x0] =	vst.idx.add.f32.msk $0xffff, v2  }
0x87: {  	p0 =	sne.s32 s25, $0x3E00;
	v1 =	vld.idx.msk [tilespmem:v63+s20+$0x0], $0xffff  }
.Ltmp0:
0x88: {  	_ = 	snop;
	(pc) =	sbr.rel @p0 .LBB2_3-.Ltmp0, $2  }
0x89: {  	_ =	sdelay $0x2  }
0x8a: {  	s25 =	sadd.s32 $0x200, s25;
	[tilespmem:v0+s21+$0x0] =	vst.idx.add.f32.msk $0xffff, v1  }
0x8b: {  	s24 =	sadd.s32 $0x1, s24  }
0x8c: {  	p0 =	sne.s32 s24, $0x4F  }
.Ltmp1:
0x8d: {  	_ = 	snop;
	(pc) =	sbr.rel @p0 .LBB2_2-.Ltmp1, $1  }
0x8e: {  	_ =	sdelay $0x3  }
0x8f: {  	[hbm4b:s9+s2] =	stream.linear.scatter [tilespmem:s15], [sflag:$0x1], $0x2720, $0x38;
	[tilespmem:$0x148C0] =	vst v63  }
0x90: {  	_ =	swait.ge [sflag:s14], $0x2720  }
0x91: {  	[sflag:s14] =	ssyncset.done $0x0  }
0x92: {  	[sflag:s14] =	ssyncadd.s32 $0xFFFFD8E0  }
0x93: {  	[hbm4b:s10+s2] =	stream.linear.scatter [tilespmem:s17], [sflag:$0x1], $0x2720, $0x38;
	[tilespmem:$0x148C0] =	vst v63  }
0x94: {  	_ =	swait.ge [sflag:s14], $0x2720  }
0x95: {  	[sflag:s14] =	ssyncset.done $0x0  }
0x96: {  	[sflag:s14] =	ssyncadd.s32 $0xFFFFD8E0  }
0x97: {  	[hbm4b:s11+s2] =	stream.linear.scatter [tilespmem:s19], [sflag:$0x1], $0x2720, $0x38;
	[tilespmem:$0x148C0] =	vst v63  }
0x98: {  	s23 =	sadd.s32 $0x1, s23;
	_ =	swait.ge [sflag:s14], $0x2720  }
0x99: {  	p0 =	sne.s32 s23, s13;
	[sflag:s14] =	ssyncset.done $0x0  }
.Ltmp2:
0x9a: {  	[sflag:s14] =	ssyncadd.s32 $0xFFFFD8E0;
	(pc) =	sbr.rel @p0 .LBB2_1-.Ltmp2, $4  }
0x9b: {  	[hbm4b:s12+s2] =	stream.linear.scatter [tilespmem:s21], [sflag:$0x1], $0x2720, $0x38;
	[tilespmem:$0x148C0] =	vst v63  }
0x9c: {  	_ =	swait.ge [sflag:s14], $0x2720  }
0x9d: {  	[sflag:s14] =	ssyncset.done $0x0  }
0x9e: {  	[sflag:s14] =	ssyncadd.s32 $0xFFFFD8E0  }
0x9f: {  	_ =	sfence.sel $0x180000  }
0xa0: {  	[bflag:$0x0] =	sbarrier.arrive $0xFFFF  }
0xa1: {  	p0 =	sne.s32 s0, $0x0;
	_ =	strace $0x9000004A  }
0xa2: {  	s0 =	sadd.s32 @!p0 $0x100000, s1;
	[bflag:$0x2] =	sbarrier.arrive $0xFFFF  }
0xa3: {  	[sflag:s0] =	ssyncadd.tile.s32 @!p0 $0x1;
	_ =	shalt  }
.Lfunc_end2:
_tile_overlayer_lowered:
.L_overlay_start_2:
0xa4: {  	(tag) =	ssettag $0x2  }
0xa5: {  	s0 =	rddreg [dreg:$0x0];
	s2 =	stileid.u32  }
0xa6: {  	s1 =	rddreg [dreg:$0x1];
	p0 =	sne.s32 s2, $0x0  }
0xa7: {  	s3 =	rddreg [dreg:$0x2];
	[bflag:$0x3] =	sbarrier.arrive $0xFFFF;
	s2 =	simm.s32 @!p0 $0x1C01  }
0xa8: {  	[timem:s3], [sflag:s2] =	dma.local @!p0 [hbm:s0], s1  }
0xa9: {  	s0 =	simm.s32 @!p0 $0x1  }
0xaa: {  	_ =	swait.ge @!p0 [sflag:s0], s1  }
0xab: {  	s1 =	ssub.s32 @!p0 $0x0, s1;
	[sflag:s0] =	ssyncset.done @!p0 $0x0  }
0xac: {  	[sflag:s0] =	ssyncadd.s32 @!p0 s1  }
0xad: {  	[bflag:$0x3] =	sbarrier.arrive $0xFFFF  }
0xae: {  	_ =	shalt  }

// kernel: sc_edge_scatter.7.cloned.1.call-start
scs
__scs_entry_jumppad:
0x0: {  	(pc) =	sbr.rel $0x88, $3  }
0x1: {  	(tag) =	ssettag $0x0;
	lr =	simm.s32 $0x1  }
0x2: {  	[smem:$0x3F99] =	sst lr;
	_ =	strace $0xD0000000  }
0x3: {  	_ = 	snop  }
0x4: {  	_ = 	snop  }
0x5: {  	_ = 	snop  }
0x6: {  	_ = 	snop  }
0x7: {  	_ = 	snop  }
__scs_overlays_trampoline_lowered:
0x8: {  	[smem:$0x3FA8] =	sst s0  }
0x9: {  	[smem:$0x3FA9] =	sst s1  }
0xa: {  	[smem:$0x3FAA] =	sst s2  }
0xb: {  	[smem:$0x3FAB] =	sst s3  }
0xc: {  	[smem:$0x3FAC] =	sst s4  }
0xd: {  	[smem:$0x3FAD] =	sst s5  }
0xe: {  	[smem:$0x3FAE] =	sst s6  }
0xf: {  	[smem:$0x3FAF] =	sst s7  }
0x10: {  	[smem:$0x3FB0] =	sst s8  }
0x11: {  	[smem:$0x3FB1] =	sst s9;
	s0 =	simm.s32 @!p0 $0x0  }
0x12: {  	s1 =	sld [smem:$0x3F97];
	s0 =	simm.s32 @p0 $0x1  }
0x13: {  	[smem:$0x3FB2] =	sst s0;
	s0 =	simm.s32 @!p1 $0x0  }
0x14: {  	s2 =	sld [smem:$0x3F96];
	s0 =	simm.s32 @p1 $0x1  }
0x15: {  	[smem:$0x3FB3] =	sst s0;
	s0 =	simm.s32 @!p2 $0x0  }
0x16: {  	s3 =	sld [smem:$0x3FDB];
	s0 =	simm.s32 @p2 $0x1  }
0x17: {  	s4 =	simm.s32 $0x1BF5;
	[smem:$0x3FB5] =	sst s0  }
0x18: {  	s0 =	sld [smem:$0x3F98];
	_ =	swait.ge [sflag:s4], $0x0  }
0x19: {  	s7 =	sld [smem:$0x3F99]  }
0x1a: {  	s8 =	sadd.s32 $0xFFFFE003, lr  }
0x1b: {  	s9 =	sadd.s32 $0xFFFFFEF7, lr;
	s5 =	simm.s32 $0xFFFFFFFF;
	p2 =	slt.u32 s8, $0xFFFFF086  }
0x1c: {  	p1 =	slt.u32 s9, $0xF7A;
	s5 =	simm.s32 @!p2 $0x0  }
0x1d: {  	s5 =	simm.s32 @p1 $0x1;
	p0 =	seq.s32 s7, s2  }
0x1e: {  	s7 =	smul.u32 @!p0 $0xF7A, s2;
	p2 =	seq.s32 @!p0 s5, $0x0  }
0x1f: {  	s9 =	smul.u32 $0xF7A, s1;
	s8 =	simm.s32 @!p0 $0x1BF5;
	p2 =	por !p2, p0  }
0x20: {  	[sflag:s8] =	ssyncset.s32 @!p0 $0xFFFFF086;
	s6 =	sadd.s32 @!p0 s3, s7;
	s7 =	simm.s32 @!p0 $0x108  }
0x21: {  	s3 =	sadd.s32 s3, s9;
	s6 =	sadd.s32 @!p0 $0x88, s6;
	s7 =	simm.s32 @p2 $0x1082  }
0x22: {  	[simem:s7], [sflag:s8] =	dma.local @!p0 [hbm:s6], $0xF7A  }
0x23: {  	s9 =	sor.u32 $0xD0000000, s2;
	s6 =	simm.s32 $0x108;
	_ =	swait.ge @!p0 [sflag:s8], $0x0  }
0x24: {  	s3 =	sadd.s32 $0x88, s3;
	s6 =	simm.s32 @!p1 $0x1082;
	[sflag:s4] =	ssyncset.s32 $0xFFFFF086  }
0x25: {  	[simem:s6], [sflag:s4] =	dma.local [hbm:s3], $0xF7A  }
0x26: {  	[smem:$0x3F99] =	sst s1;
	(tag) =	ssettag s2;
	_ =	strace s9  }
0x27: {  	s1 =	sld [smem:$0x3FA9]  }
0x28: {  	s2 =	sld [smem:$0x3FAA]  }
0x29: {  	s4 =	sld [smem:$0x3FAC]  }
0x2a: {  	p0 =	seq.s32 s5, $0x0;
	s5 =	sld [smem:$0x3FAD]  }
0x2b: {  	s6 =	sld [smem:$0x3FAE]  }
0x2c: {  	s7 =	sld [smem:$0x3FAF]  }
0x2d: {  	s3 =	simm.s32 $0x108;
	s8 =	sld [smem:$0x3FB0]  }
0x2e: {  	s3 =	simm.s32 @!p0 $0x1082;
	s9 =	sld [smem:$0x3FB1]  }
0x2f: {  	lr =	sadd.s32 s0, s3;
	s0 =	sld [smem:$0x3FA8]  }
0x30: {  	s3 =	sld [smem:$0x3FAB]  }
0x31: {  	[smem:$0x3FB4] =	sst s10  }
0x32: {  	s10 =	sld [smem:$0x3FB2];
	_ =	sdelay $0x3  }
0x33: {  	p0 =	seq.s32 s10, $0x1;
	s10 =	sld [smem:$0x3FB4];
	_ =	sdelay $0x3  }
0x34: {  	[smem:$0x3FB4] =	sst s10  }
0x35: {  	s10 =	sld [smem:$0x3FB3];
	_ =	sdelay $0x3  }
0x36: {  	p1 =	seq.s32 s10, $0x1;
	s10 =	sld [smem:$0x3FB4];
	_ =	sdelay $0x3  }
0x37: {  	[smem:$0x3FB4] =	sst s10  }
0x38: {  	s10 =	sld [smem:$0x3FB5]  }
0x39: {  	_ = 	snop;
	(pc) =	sbr.ind lr, $3  }
0x3a: {  	_ = 	snop  }
0x3b: {  	_ = 	snop  }
0x3c: {  	p2 =	seq.s32 s10, $0x1;
	s10 =	sld [smem:$0x3FB4]  }
0x3d: {  	_ =	shalt  }
0x3e: {  	_ =	shalt  }
0x3f: {  	_ =	shalt  }
0x40: {  	_ =	shalt  }
0x41: {  	_ =	shalt  }
0x42: {  	_ =	shalt  }
0x43: {  	_ =	shalt  }
0x44: {  	_ =	shalt  }
0x45: {  	_ =	shalt  }
0x46: {  	_ =	shalt  }
0x47: {  	_ =	shalt  }
0x48: {  	_ =	shalt  }
0x49: {  	_ =	shalt  }
0x4a: {  	_ =	shalt  }
0x4b: {  	_ =	shalt  }
0x4c: {  	_ =	shalt  }
0x4d: {  	_ =	shalt  }
0x4e: {  	_ =	shalt  }
0x4f: {  	_ =	shalt  }
0x50: {  	_ =	shalt  }
0x51: {  	_ =	shalt  }
0x52: {  	_ =	shalt  }
0x53: {  	_ =	shalt  }
0x54: {  	_ =	shalt  }
0x55: {  	_ =	shalt  }
0x56: {  	_ =	shalt  }
0x57: {  	_ =	shalt  }
0x58: {  	_ =	shalt  }
0x59: {  	_ =	shalt  }
0x5a: {  	_ =	shalt  }
0x5b: {  	_ =	shalt  }
0x5c: {  	_ =	shalt  }
0x5d: {  	_ =	shalt  }
0x5e: {  	_ =	shalt  }
0x5f: {  	_ =	shalt  }
0x60: {  	_ =	shalt  }
0x61: {  	_ =	shalt  }
0x62: {  	_ =	shalt  }
0x63: {  	_ =	shalt  }
0x64: {  	_ =	shalt  }
0x65: {  	_ =	shalt  }
0x66: {  	_ =	shalt  }
0x67: {  	_ =	shalt  }
0x68: {  	_ =	shalt  }
0x69: {  	_ =	shalt  }
0x6a: {  	_ =	shalt  }
0x6b: {  	_ =	shalt  }
0x6c: {  	_ =	shalt  }
0x6d: {  	_ =	shalt  }
0x6e: {  	_ =	shalt  }
0x6f: {  	_ =	shalt  }
0x70: {  	_ =	shalt  }
0x71: {  	_ =	shalt  }
0x72: {  	_ =	shalt  }
0x73: {  	_ =	shalt  }
0x74: {  	_ =	shalt  }
0x75: {  	_ =	shalt  }
0x76: {  	_ =	shalt  }
0x77: {  	_ =	shalt  }
0x78: {  	_ =	shalt  }
0x79: {  	_ =	shalt  }
0x7a: {  	_ =	shalt  }
0x7b: {  	_ =	shalt  }
0x7c: {  	_ =	shalt  }
0x7d: {  	_ =	shalt  }
0x7e: {  	_ =	shalt  }
0x7f: {  	_ =	shalt  }
0x80: {  	_ =	shalt  }
0x81: {  	_ =	shalt  }
0x82: {  	_ =	shalt  }
0x83: {  	_ =	shalt  }
0x84: {  	_ =	shalt  }
0x85: {  	_ =	shalt  }
0x86: {  	_ =	shalt  }
0x87: {  	_ =	shalt  }
.Lfunc_end0:
.L_simem_size_0:
called_computation.2_lowered:
.L_overlay_start_0:
0x88: {  	s2 =	sld [smem:$0x3FD9]  }
0x89: {  	s3 =	sld [smem:$0x3FFE];
	_ =	sdelay $0x1  }
0x8a: {  	s1 =	srdreg.scid  }
0x8b: {  	s0 =	sand.u32 $0x1, s1  }
0x8c: {  	s17 =	sshll.u32 s0, $0xA;
	s2 =	sadd.s32 s3, s2  }
0x8d: {  	s2 =	sadd.s32 s2, s17  }
0x8e: {  	[smem:$0x3FC0] =	sst s2  }
0x8f: {  	_ = 	snop  }
0x90: {  	s2 =	sld [smem:$0x3FD0];
	(tm) =	ssettm $0x1  }
0x91: {  	s18 =	sld [smem:$0x3FFB];
	_ =	sdelay $0x3  }
0x92: {  	_ =	strace s18  }
0x93: {  	s3 =	sld [smem:$0x3FFC];
	_ =	sdelay $0x3  }
0x94: {  	_ =	strace s3  }
0x95: {  	s3 =	sld [smem:$0x3FFD];
	_ =	sdelay $0x3  }
0x96: {  	_ =	strace s3  }
0x97: {  	_ =	strace $0x8FFFFFFF  }
0x98: {  	s19 =	sld [smem:$0x3FDB];
	_ =	sdelay $0x1  }
0x99: {  	s4 =	simm.s32 $_scs_section_size  }
0x9a: {  	s5 =	simm.s32 $_size__tile_overlayer_lowered;
	s6 =	simm.s32 $_tile_overlayer_lowered  }
0x9b: {  	s22 =	simm.s32 $0x1BFF;
	s21 =	sshll.u32 s6, $0x1;
	s3 =	sadd.s32 s4, s19  }
0x9c: {  	s7 =	simm.s32 $0x0;
	s20 =	sshll.u32 s5, $0x1;
	s5 =	sadd.s32 s21, s3  }
0x9d: {  	[timem:s7], [sflag:s22] =	dma.local [hbm:s5], s20  }
0x9e: {  	_ =	swait.ge [sflag:s22], s20  }
0x9f: {  	s4 =	ssub.s32 $0x0, s20;
	[sflag:s22] =	ssyncset.done $0x0  }
0xa0: {  	[sflag:s22] =	ssyncadd.s32 s4;
	_ =	sdelay $0x1  }
0xa1: {  	s23 =	simm.s32 $0x1B8B  }
0xa2: {  	_ =	swait.ge [sflag:s23], $0x1  }
0xa3: {  	[sflag:s23] =	ssyncset.done $0x0  }
0xa4: {  	s25 =	simm.s32 $0x1B8E;
	s24 =	sld [smem:$0x3FFE];
	[sflag:s23] =	ssyncadd.s32 $0xFFFFFFFF  }
0xa5: {  	s26 =	simm.s32 $execute0_lowered;
	[smem:$0x3FD2] =	sst s25  }
0xa6: {  	s5 =	sshll.u32 s26, $0x1;
	_ =	strace $0x8000004C;
	[dreg:$0x1] =	wrdreg $0xFFFFFFFF  }
0xa7: {  	s28 =	simm.s32 $_size_execute0_lowered;
	s3 =	sadd.s32 s3, s5;
	[dreg:$0x0] =	wrdreg $0x0  }
0xa8: {  	s5 =	sshll.u32 s28, $0x1;
	[dreg:$0x2] =	wrdreg s3  }
0xa9: {  	[dreg:$0x3] =	wrdreg s5  }
0xaa: {  	[dreg:$0x4] =	wrdreg $0xC0  }
0xab: {  	_ =	task [dreg:s7], $0x5FFFF  }
0xac: {  	[dreg:$0x1] =	wrdreg $0xFFFFFFFF  }
0xad: {  	[dreg:$0x0] =	wrdreg $0x60  }
0xae: {  	[dreg:$0x2] =	wrdreg s2  }
0xaf: {  	[dreg:$0x3] =	wrdreg s24  }
0xb0: {  	[dreg:$0x4] =	wrdreg $0x9  }
0xb1: {  	_ =	task.clear_ibuf [dreg:s7], $0x5FFFF;
	_ =	strace $0x9000004C  }
0xb2: {  	s29 =	simm.s32 $0x9;
	_ =	strace $0x8000004E  }
0xb3: {  	_ =	swait.ge [sflag:s29], $0x1  }
0xb4: {  	[sflag:s29] =	ssyncadd.s32 $0xFFFFFFFF  }
0xb5: {  	_ =	strace $0x9000004E  }
0xb6: {  	_ =	sfence  }
0xb7: {  	s30 =	sld [smem:$0x0];
	_ =	sdelay $0x2  }
0xb8: {  	s31 =	sshll.u32 s1, $0xD;
	s1 =	sshrl.u32 s1, $0x2  }
0xb9: {  	s3 =	sand.u32 $0x4000, s31;
	s1 =	sadd.s32 s1, s30  }
0xba: {  	s0 =	sor.u32 s3, s0;
	s1 =	sshll.u32 s1, $0x11  }
0xbb: {  	s0 =	sor.u32 s1, s0  }
0xbc: {  	s0 =	sadd.s32 $0x8F2B, s0  }
0xbd: {  	[sflag:s0] =	ssyncadd.remote.s32 $0x1  }
0xbe: {  	_ =	sfence.sel $0xFFFF  }
0xbf: {  	[dreg:$0x0] =	wrdreg $0xFFFFFFFF;
	(pc) =	sbr.abs _section_cstart, $3  }
0xc0: {  	[dreg:$0x1] =	wrdreg $0xFFFFFFFF  }
0xc1: {  	_ =	task.clear_ibuf [dreg:s7], $0x2FFFF;
	_ =	strace $0x9FFFFFFF  }
0xc2: {  	(tm) =	ssettm $0x7FFFFFFF  }
0xc3: {  	_ =	shalt  }
tec
execute0_lowered:
.L_overlay_start_1:
0x0: {  	(tag) =	ssettag $0x1  }
0x1: {  	s1 =	srdreg.scid  }
0x2: {  	s8 =	rddreg [dreg:$0x0];
	s0 =	stileid.u32  }
0x3: {  	s5 =	rddreg [dreg:$0x1];
	s19 =	simm.s32 $0xEA80;
	s4 =	sand.u32 $0x1, s1  }
0x4: {  	s20 =	simm.s32 $0x7530;
	s3 =	sshll.u32 s0, $0x2;
	s2 =	sshll.u32 s4, $0x6  }
0x5: {  	s21 =	simm.s32 $0x111A0;
	s22 =	simm.s32 $0x138C0;
	s6 =	sor.u32 s3, s2  }
0x6: {  	s23 =	simm.s32 $0x0;
	s1 =	rddreg [dreg:$0x2];
	s7 =	smul.u32 $0x4E2, s6  }
0x7: {  	s18 =	sadd.s32 $0xC000, s5;
	s9 =	sor.u32 $0x1, s6;
	s17 =	smul.u32 $0x4E4, s6  }
0x8: {  	s14 =	ssub.s32 $0x2, s4;
	s11 =	sor.u32 $0x2, s6;
	s10 =	smul.u32 $0x4E2, s9  }
0x9: {  	s4 =	sadd.s32 $0xBA00, s5;
	s13 =	sor.u32 $0x3, s6;
	s12 =	smul.u32 $0x4E2, s11  }
0xa: {  	s2 =	simm.s32 $0x0;
	s3 =	sadd.s32 $0x1C00, s5;
	s15 =	smul.u32 $0x4E2, s13  }
0xb: {  	s16 =	sshrl.u32 s14, $0x1;
	[smem:$0x7FF] =	sst s2;
	s30 =	smul.u32 $0x4E4, s9  }
0xc: {  	s14 =	ssub.s32 s14, s16;
	s16 =	simm.s32 $0x2710;
	s11 =	smul.u32 $0x4E4, s11  }
0xd: {  	_ =	strace $0x8000004D;
	s31 =	smul.u32 $0x4E4, s13;
	s13 =	smax.u32 s14, $0x1  }
0xe: {  	s14 =	simm.s32 $0x1;
	s5 =	sadd.s32 s8, s7;
	s9 =	sadd.s32 s18, s17  }
0xf: {  	s17 =	simm.s32 $0xC360;
	s6 =	sadd.s32 s8, s10;
	s7 =	sadd.s32 s8, s12  }
0x10: {  	s8 =	sadd.s32 s8, s15;
	s10 =	sadd.s32 s18, s30;
	s11 =	sadd.s32 s18, s11  }
0x11: {  	s12 =	sadd.s32 s18, s31;
	s15 =	simm.s32 $0x9C40;
	s18 =	simm.s32 $0x4E20  }
.LBB2_1:
0x12: {  	[tilespmem:s2], [sflag:$0x1] =	stream.linear.gather [hbm4b:s5+s2], $0x2710, $0x38;
	[tilespmem:$0x148C0] =	vst v63  }
0x13: {  	_ =	swait.ge [sflag:s14], $0x2710  }
0x14: {  	[sflag:s14] =	ssyncset.done $0x0  }
0x15: {  	[sflag:s14] =	ssyncadd.s32 $0xFFFFD8F0  }
0x16: {  	[tilespmem:s15], [sflag:$0x1] =	stream.linear.gather [hbm4b:s4+s2], $0x2720, $0x38;
	[tilespmem:$0x148C0] =	vst v63  }
0x17: {  	_ =	swait.ge [sflag:s14], $0x2720  }
0x18: {  	[sflag:s14] =	ssyncset.done $0x0  }
0x19: {  	[sflag:s14] =	ssyncadd.s32 $0xFFFFD8E0  }
0x1a: {  	[tilespmem:s16], [sflag:$0x1] =	stream.linear.gather [hbm4b:s6+s2], $0x2710, $0x38;
	[tilespmem:$0x148C0] =	vst v63  }
0x1b: {  	_ =	swait.ge [sflag:s14], $0x2710  }
0x1c: {  	[sflag:s14] =	ssyncset.done $0x0  }
0x1d: {  	[sflag:s14] =	ssyncadd.s32 $0xFFFFD8F0  }
0x1e: {  	[tilespmem:s17], [sflag:$0x1] =	stream.linear.gather [hbm4b:s4+s2], $0x2720, $0x38;
	[tilespmem:$0x148C0] =	vst v63  }
0x1f: {  	_ =	swait.ge [sflag:s14], $0x2720  }
0x20: {  	[sflag:s14] =	ssyncset.done $0x0  }
0x21: {  	[sflag:s14] =	ssyncadd.s32 $0xFFFFD8E0  }
0x22: {  	[tilespmem:s18], [sflag:$0x1] =	stream.linear.gather [hbm4b:s7+s2], $0x2710, $0x38;
	[tilespmem:$0x148C0] =	vst v63  }
0x23: {  	_ =	swait.ge [sflag:s14], $0x2710  }
0x24: {  	[sflag:s14] =	ssyncset.done $0x0  }
0x25: {  	[sflag:s14] =	ssyncadd.s32 $0xFFFFD8F0  }
0x26: {  	[tilespmem:s19], [sflag:$0x1] =	stream.linear.gather [hbm4b:s4+s2], $0x2720, $0x38;
	[tilespmem:$0x148C0] =	vst v63  }
0x27: {  	_ =	swait.ge [sflag:s14], $0x2720  }
0x28: {  	[sflag:s14] =	ssyncset.done $0x0  }
0x29: {  	[sflag:s14] =	ssyncadd.s32 $0xFFFFD8E0  }
0x2a: {  	[tilespmem:s20], [sflag:$0x1] =	stream.linear.gather [hbm4b:s8+s2], $0x2710, $0x38;
	[tilespmem:$0x148C0] =	vst v63  }
0x2b: {  	_ =	swait.ge [sflag:s14], $0x2710  }
0x2c: {  	[sflag:s14] =	ssyncset.done $0x0  }
0x2d: {  	[sflag:s14] =	ssyncadd.s32 $0xFFFFD8F0  }
0x2e: {  	[tilespmem:s21], [sflag:$0x1] =	stream.linear.gather [hbm4b:s4+s2], $0x2720, $0x38;
	[tilespmem:$0x148C0] =	vst v63  }
0x2f: {  	_ =	swait.ge [sflag:s14], $0x2720  }
0x30: {  	[sflag:s14] =	ssyncset.done $0x0  }
0x31: {  	s24 =	simm.s32 $0x0;
	[sflag:s14] =	ssyncadd.s32 $0xFFFFD8E0  }
.LBB2_2:
0x32: {  	s25 =	sshll.u32 s24, $0x9  }
0x33: {  	s26 =	sadd.s32 s3, s25;
	s25 =	simm.s32 $0x0  }
0x34: {  	[tilespmem:s22], [sflag:$0x1] =	stream.linear.gather [hbm4b:s26+s25], $0x1000, $0x38;
	[tilespmem:$0x148C0] =	vst v63  }
0x35: {  	_ =	swait.ge [sflag:s14], $0x1000  }
0x36: {  	[sflag:s14] =	ssyncset.done $0x0  }
0x37: {  	[sflag:s14] =	ssyncadd.s32 $0xFFFFF000  }
.LBB2_3:
0x38: {  	s26 =	sshra.s32 s25, $0x2  }
0x39: {  	v0 =	vld [tilespmem:s26+$0x138C0];
	_ =	sdelay $0x4  }
0x3a: {  	v1 =	vshrl.u32 v0, $0xE;
	_ =	sdelay $0x4  }
0x3b: {  	v0 =	vand.u32 $0x3FFF, v0;
	v2 =	vld.idx.msk [tilespmem:v1+s2+$0x0], $0xffff;
	_ =	sdelay $0x4  }
0x3c: {  	[tilespmem:v0+s15+$0x0] =	vst.idx.add.f32.msk $0xffff, v2  }
0x3d: {  	v2 =	vld.idx.msk [tilespmem:v1+s16+$0x0], $0xffff;
	_ =	sdelay $0x4  }
0x3e: {  	[tilespmem:v0+s17+$0x0] =	vst.idx.add.f32.msk $0xffff, v2  }
0x3f: {  	v2 =	vld.idx.msk [tilespmem:v1+s18+$0x0], $0xffff;
	_ =	sdelay $0x4  }
0x40: {  	[tilespmem:v0+s19+$0x0] =	vst.idx.add.f32.msk $0xffff, v2  }
0x41: {  	v1 =	vld.idx.msk [tilespmem:v1+s20+$0x0], $0xffff;
	_ =	sdelay $0x4  }
0x42: {  	[tilespmem:v0+s21+$0x0] =	vst.idx.add.f32.msk $0xffff, v1  }
0x43: {  	v0 =	vld [tilespmem:s26+$0x138D0];
	_ =	sdelay $0x4  }
0x44: {  	v57 =	vshrl.u32 v0, $0xE;
	_ =	sdelay $0x4  }
0x45: {  	v0 =	vand.u32 $0x3FFF, v0;
	v2 =	vld.idx.msk [tilespmem:v57+s2+$0x0], $0xffff;
	_ =	sdelay $0x4  }
0x46: {  	[tilespmem:v0+s15+$0x0] =	vst.idx.add.f32.msk $0xffff, v2  }
0x47: {  	v2 =	vld.idx.msk [tilespmem:v57+s16+$0x0], $0xffff;
	_ =	sdelay $0x4  }
0x48: {  	[tilespmem:v0+s17+$0x0] =	vst.idx.add.f32.msk $0xffff, v2  }
0x49: {  	v2 =	vld.idx.msk [tilespmem:v57+s18+$0x0], $0xffff;
	_ =	sdelay $0x4  }
0x4a: {  	[tilespmem:v0+s19+$0x0] =	vst.idx.add.f32.msk $0xffff, v2  }
0x4b: {  	v1 =	vld.idx.msk [tilespmem:v57+s20+$0x0], $0xffff;
	_ =	sdelay $0x4  }
0x4c: {  	[tilespmem:v0+s21+$0x0] =	vst.idx.add.f32.msk $0xffff, v1  }
0x4d: {  	v0 =	vld [tilespmem:s26+$0x138E0];
	_ =	sdelay $0x4  }
0x4e: {  	v58 =	vshrl.u32 v0, $0xE;
	_ =	sdelay $0x4  }
0x4f: {  	v0 =	vand.u32 $0x3FFF, v0;
	v2 =	vld.idx.msk [tilespmem:v58+s2+$0x0], $0xffff;
	_ =	sdelay $0x4  }
0x50: {  	[tilespmem:v0+s15+$0x0] =	vst.idx.add.f32.msk $0xffff, v2  }
0x51: {  	v2 =	vld.idx.msk [tilespmem:v58+s16+$0x0], $0xffff;
	_ =	sdelay $0x4  }
0x52: {  	[tilespmem:v0+s17+$0x0] =	vst.idx.add.f32.msk $0xffff, v2  }
0x53: {  	v2 =	vld.idx.msk [tilespmem:v58+s18+$0x0], $0xffff;
	_ =	sdelay $0x4  }
0x54: {  	[tilespmem:v0+s19+$0x0] =	vst.idx.add.f32.msk $0xffff, v2  }
0x55: {  	v1 =	vld.idx.msk [tilespmem:v58+s20+$0x0], $0xffff;
	_ =	sdelay $0x4  }
0x56: {  	[tilespmem:v0+s21+$0x0] =	vst.idx.add.f32.msk $0xffff, v1  }
0x57: {  	v0 =	vld [tilespmem:s26+$0x138F0];
	_ =	sdelay $0x4  }
0x58: {  	v59 =	vshrl.u32 v0, $0xE;
	_ =	sdelay $0x4  }
0x59: {  	v0 =	vand.u32 $0x3FFF, v0;
	v2 =	vld.idx.msk [tilespmem:v59+s2+$0x0], $0xffff;
	_ =	sdelay $0x4  }
0x5a: {  	[tilespmem:v0+s15+$0x0] =	vst.idx.add.f32.msk $0xffff, v2  }
0x5b: {  	v2 =	vld.idx.msk [tilespmem:v59+s16+$0x0], $0xffff;
	_ =	sdelay $0x4  }
0x5c: {  	[tilespmem:v0+s17+$0x0] =	vst.idx.add.f32.msk $0xffff, v2  }
0x5d: {  	v2 =	vld.idx.msk [tilespmem:v59+s18+$0x0], $0xffff;
	_ =	sdelay $0x4  }
0x5e: {  	[tilespmem:v0+s19+$0x0] =	vst.idx.add.f32.msk $0xffff, v2  }
0x5f: {  	v1 =	vld.idx.msk [tilespmem:v59+s20+$0x0], $0xffff;
	_ =	sdelay $0x4  }
0x60: {  	[tilespmem:v0+s21+$0x0] =	vst.idx.add.f32.msk $0xffff, v1  }
0x61: {  	v0 =	vld [tilespmem:s26+$0x13900];
	_ =	sdelay $0x4  }
0x62: {  	v60 =	vshrl.u32 v0, $0xE;
	_ =	sdelay $0x4  }
0x63: {  	v0 =	vand.u32 $0x3FFF, v0;
	v2 =	vld.idx.msk [tilespmem:v60+s2+$0x0], $0xffff;
	_ =	sdelay $0x4  }
0x64: {  	[tilespmem:v0+s15+$0x0] =	vst.idx.add.f32.msk $0xffff, v2  }
0x65: {  	v2 =	vld.idx.msk [tilespmem:v60+s16+$0x0], $0xffff;
	_ =	sdelay $0x4  }
0x66: {  	[tilespmem:v0+s17+$0x0] =	vst.idx.add.f32.msk $0xffff, v2  }
0x67: {  	v2 =	vld.idx.msk [tilespmem:v60+s18+$0x0], $0xffff;
	_ =	sdelay $0x4  }
0x68: {  	[tilespmem:v0+s19+$0x0] =	vst.idx.add.f32.msk $0xffff, v2  }
0x69: {  	v1 =	vld.idx.msk [tilespmem:v60+s20+$0x0], $0xffff;
	_ =	sdelay $0x4  }
0x6a: {  	[tilespmem:v0+s21+$0x0] =	vst.idx.add.f32.msk $0xffff, v1  }
0x6b: {  	v0 =	vld [tilespmem:s26+$0x13910];
	_ =	sdelay $0x4  }
0x6c: {  	v61 =	vshrl.u32 v0, $0xE;
	_ =	sdelay $0x4  }
0x6d: {  	v0 =	vand.u32 $0x3FFF, v0;
	v2 =	vld.idx.msk [tilespmem:v61+s2+$0x0], $0xffff;
	_ =	sdelay $0x4  }
0x6e: {  	[tilespmem:v0+s15+$0x0] =	vst.idx.add.f32.msk $0xffff, v2  }
0x6f: {  	v2 =	vld.idx.msk [tilespmem:v61+s16+$0x0], $0xffff;
	_ =	sdelay $0x4  }
0x70: {  	[tilespmem:v0+s17+$0x0] =	vst.idx.add.f32.msk $0xffff, v2  }
0x71: {  	v2 =	vld.idx.msk [tilespmem:v61+s18+$0x0], $0xffff;
	_ =	sdelay $0x4  }
0x72: {  	[tilespmem:v0+s19+$0x0] =	vst.idx.add.f32.msk $0xffff, v2  }
0x73: {  	v1 =	vld.idx.msk [tilespmem:v61+s20+$0x0], $0xffff;
	_ =	sdelay $0x4  }
0x74: {  	[tilespmem:v0+s21+$0x0] =	vst.idx.add.f32.msk $0xffff, v1  }
0x75: {  	v0 =	vld [tilespmem:s26+$0x13920];
	_ =	sdelay $0x4  }
0x76: {  	v62 =	vshrl.u32 v0, $0xE;
	_ =	sdelay $0x4  }
0x77: {  	v0 =	vand.u32 $0x3FFF, v0;
	v2 =	vld.idx.msk [tilespmem:v62+s2+$0x0], $0xffff;
	_ =	sdelay $0x4  }
0x78: {  	[tilespmem:v0+s15+$0x0] =	vst.idx.add.f32.msk $0xffff, v2  }
0x79: {  	v2 =	vld.idx.msk [tilespmem:v62+s16+$0x0], $0xffff;
	_ =	sdelay $0x4  }
0x7a: {  	[tilespmem:v0+s17+$0x0] =	vst.idx.add.f32.msk $0xffff, v2  }
0x7b: {  	v2 =	vld.idx.msk [tilespmem:v62+s18+$0x0], $0xffff;
	_ =	sdelay $0x4  }
0x7c: {  	[tilespmem:v0+s19+$0x0] =	vst.idx.add.f32.msk $0xffff, v2  }
0x7d: {  	v1 =	vld.idx.msk [tilespmem:v62+s20+$0x0], $0xffff;
	_ =	sdelay $0x4  }
0x7e: {  	[tilespmem:v0+s21+$0x0] =	vst.idx.add.f32.msk $0xffff, v1  }
0x7f: {  	v0 =	vld [tilespmem:s26+$0x13930];
	_ =	sdelay $0x4  }
0x80: {  	v63 =	vshrl.u32 v0, $0xE;
	_ =	sdelay $0x4  }
0x81: {  	v0 =	vand.u32 $0x3FFF, v0;
	v2 =	vld.idx.msk [tilespmem:v63+s2+$0x0], $0xffff;
	_ =	sdelay $0x4  }
0x82: {  	[tilespmem:v0+s15+$0x0] =	vst.idx.add.f32.msk $0xffff, v2  }
0x83: {  	v2 =	vld.idx.msk [tilespmem:v63+s16+$0x0], $0xffff;
	_ =	sdelay $0x4  }
0x84: {  	[tilespmem:v0+s17+$0x0] =	vst.idx.add.f32.msk $0xffff, v2  }
0x85: {  	v2 =	vld.idx.msk [tilespmem:v63+s18+$0x0], $0xffff;
	_ =	sdelay $0x4  }
0x86: {  	[tilespmem:v0+s19+$0x0] =	vst.idx.add.f32.msk $0xffff, v2  }
0x87: {  	p0 =	sne.s32 s25, $0x3E00;
	v1 =	vld.idx.msk [tilespmem:v63+s20+$0x0], $0xffff  }
.Ltmp0:
0x88: {  	_ = 	snop;
	(pc) =	sbr.rel @p0 .LBB2_3-.Ltmp0, $2  }
0x89: {  	_ =	sdelay $0x2  }
0x8a: {  	s25 =	sadd.s32 $0x200, s25;
	[tilespmem:v0+s21+$0x0] =	vst.idx.add.f32.msk $0xffff, v1  }
0x8b: {  	s24 =	sadd.s32 $0x1, s24  }
0x8c: {  	p0 =	sne.s32 s24, $0x4F  }
.Ltmp1:
0x8d: {  	_ = 	snop;
	(pc) =	sbr.rel @p0 .LBB2_2-.Ltmp1, $1  }
0x8e: {  	_ =	sdelay $0x3  }
0x8f: {  	[hbm4b:s9+s2] =	stream.linear.scatter [tilespmem:s15], [sflag:$0x1], $0x2720, $0x38;
	[tilespmem:$0x148C0] =	vst v63  }
0x90: {  	_ =	swait.ge [sflag:s14], $0x2720  }
0x91: {  	[sflag:s14] =	ssyncset.done $0x0  }
0x92: {  	[sflag:s14] =	ssyncadd.s32 $0xFFFFD8E0  }
0x93: {  	[hbm4b:s10+s2] =	stream.linear.scatter [tilespmem:s17], [sflag:$0x1], $0x2720, $0x38;
	[tilespmem:$0x148C0] =	vst v63  }
0x94: {  	_ =	swait.ge [sflag:s14], $0x2720  }
0x95: {  	[sflag:s14] =	ssyncset.done $0x0  }
0x96: {  	[sflag:s14] =	ssyncadd.s32 $0xFFFFD8E0  }
0x97: {  	[hbm4b:s11+s2] =	stream.linear.scatter [tilespmem:s19], [sflag:$0x1], $0x2720, $0x38;
	[tilespmem:$0x148C0] =	vst v63  }
0x98: {  	s23 =	sadd.s32 $0x1, s23;
	_ =	swait.ge [sflag:s14], $0x2720  }
0x99: {  	p0 =	sne.s32 s23, s13;
	[sflag:s14] =	ssyncset.done $0x0  }
.Ltmp2:
0x9a: {  	[sflag:s14] =	ssyncadd.s32 $0xFFFFD8E0;
	(pc) =	sbr.rel @p0 .LBB2_1-.Ltmp2, $4  }
0x9b: {  	[hbm4b:s12+s2] =	stream.linear.scatter [tilespmem:s21], [sflag:$0x1], $0x2720, $0x38;
	[tilespmem:$0x148C0] =	vst v63  }
0x9c: {  	_ =	swait.ge [sflag:s14], $0x2720  }
0x9d: {  	[sflag:s14] =	ssyncset.done $0x0  }
0x9e: {  	[sflag:s14] =	ssyncadd.s32 $0xFFFFD8E0  }
0x9f: {  	_ =	sfence.sel $0x180000  }
0xa0: {  	[bflag:$0x0] =	sbarrier.arrive $0xFFFF  }
0xa1: {  	p0 =	sne.s32 s0, $0x0;
	_ =	strace $0x9000004D  }
0xa2: {  	s0 =	sadd.s32 @!p0 $0x100000, s1;
	[bflag:$0x2] =	sbarrier.arrive $0xFFFF  }
0xa3: {  	[sflag:s0] =	ssyncadd.tile.s32 @!p0 $0x1;
	_ =	shalt  }
.Lfunc_end2:
_tile_overlayer_lowered:
.L_overlay_start_2:
0xa4: {  	(tag) =	ssettag $0x2  }
0xa5: {  	s0 =	rddreg [dreg:$0x0];
	s2 =	stileid.u32  }
0xa6: {  	s1 =	rddreg [dreg:$0x1];
	p0 =	sne.s32 s2, $0x0  }
0xa7: {  	s3 =	rddreg [dreg:$0x2];
	[bflag:$0x3] =	sbarrier.arrive $0xFFFF;
	s2 =	simm.s32 @!p0 $0x1C01  }
0xa8: {  	[timem:s3], [sflag:s2] =	dma.local @!p0 [hbm:s0], s1  }
0xa9: {  	s0 =	simm.s32 @!p0 $0x1  }
0xaa: {  	_ =	swait.ge @!p0 [sflag:s0], s1  }
0xab: {  	s1 =	ssub.s32 @!p0 $0x0, s1;
	[sflag:s0] =	ssyncset.done @!p0 $0x0  }
0xac: {  	[sflag:s0] =	ssyncadd.s32 @!p0 s1  }
0xad: {  	[bflag:$0x3] =	sbarrier.arrive $0xFFFF  }
0xae: {  	_ =	shalt  }

</sc_bundles>
